<compile_context>
chip_gen: v7x
topology: tpu7x:2x2x1
jax: 0.10.2.dev20260603
libtpu: 0.0.44.dev20260713+nightly
codegen_flags: <defaults>
</compile_context>

<pallas_src>
import functools

import jax
import jax.numpy as jnp
from jax import lax
from jax.experimental import pallas as pl
from jax.experimental.pallas import tpu as pltpu
from jax.experimental.pallas import tpu_sc as plsc

MAX_ATOMS = 1024
MAX_BONDS = 1024
BATCH = 16384

NW = 32
BPW = BATCH // NW
NG = BPW // 128

_SHIFT = 12.0
CHUNK = 256
NCH = MAX_ATOMS // CHUNK
NBUF = 4


def _prep_body(x_hbm, flat_hbm, z_ref, *rest):
    bufs = rest[:NBUF]
    sem_in = rest[NBUF]
    out_sems = rest[NBUF + 1:]

    def start_in(c):
        return pltpu.make_async_copy(
            x_hbm.at[pl.ds(c * CHUNK, CHUNK), :], bufs[c % NBUF], sem_in
        )

    def out_copies(c):
        return [
            pltpu.make_async_copy(
                bufs[c % NBUF].at[:, pl.ds(j * 128, 128)],
                flat_hbm.at[pl.ds(c * CHUNK, CHUNK), j, :],
                out_sems[c % NBUF],
            )
            for j in range(8)
        ]

    PRIME = 3
    for c in range(PRIME):
        start_in(c).start()
    s = jnp.float32(0.0)
    pend = {}
    for c in range(NCH):
        nxt = c + PRIME
        if nxt < NCH:
            if nxt - NBUF in pend:
                for cp in pend.pop(nxt - NBUF):
                    cp.wait()
            start_in(nxt).start()
        start_in(c).wait()
        pend[c] = out_copies(c)
        for cp in pend[c]:
            cp.start()
        s = s + jnp.sum(jnp.exp(bufs[c % NBUF][...] - _SHIFT))
    for cps in pend.values():
        for cp in cps:
            cp.wait()
    z = _SHIFT + jnp.log(s)
    z_ref[...] = jnp.full((8, 128), z, jnp.float32)


def _prep(logits):
    return pl.pallas_call(
        _prep_body,
        in_specs=[pl.BlockSpec(memory_space=pl.ANY)],
        out_specs=[
            pl.BlockSpec(memory_space=pl.ANY),
            pl.BlockSpec(memory_space=pltpu.MemorySpace.VMEM),
        ],
        out_shape=[
            jax.ShapeDtypeStruct((MAX_ATOMS, 8, 128), jnp.float32),
            jax.ShapeDtypeStruct((8, 128), jnp.float32),
        ],
        scratch_shapes=[pltpu.VMEM((CHUNK, MAX_BONDS), jnp.float32)] * NBUF
        + [pltpu.SemaphoreType.DMA] * (NBUF + 1),
    )(logits)


_mesh = plsc.VectorSubcoreMesh(core_axis_name="c", subcore_axis_name="s")


@functools.partial(
    pl.kernel,
    mesh=_mesh,
    out_type=jax.ShapeDtypeStruct((BATCH,), jnp.float32),
    scratch_types=[
        pltpu.VMEM((BPW,), jnp.int32),
        pltpu.VMEM((BPW,), jnp.int32),
        pltpu.VMEM((NG, 128), jnp.int32),
        pltpu.VMEM((BPW,), jnp.float32),
        pltpu.VMEM((16,), jnp.float32),
        pltpu.SemaphoreType.DMA,
        pltpu.SemaphoreType.DMA,
    ],
)
def _sc_gather(flat_hbm, n_hbm, m_hbm, z_hbm, out_hbm,
               n_v, m_v, idx_v, val_v, z_v, sem_in, sem_g):
    wid = lax.axis_index("s") * 2 + lax.axis_index("c")
    base = wid * BPW
    cp_n = pltpu.async_copy(n_hbm.at[pl.ds(base, BPW)], n_v, sem_in)
    cp_m = pltpu.async_copy(m_hbm.at[pl.ds(base, BPW)], m_v, sem_in)
    cp_z = pltpu.async_copy(z_hbm.at[pl.ds(0, 16)], z_v, sem_in)
    cp_n.wait()
    cp_m.wait()
    copies = []
    for j in range(NG):
        for t in range(8):
            o = j * 128 + t * 16
            nn = n_v[pl.ds(o, 16)]
            mm = m_v[pl.ds(o, 16)]
            idx_v[j, pl.ds(t * 16, 16)] = nn * MAX_BONDS + mm
        copies.append(
            pltpu.async_copy(flat_hbm.at[idx_v.at[j]],
                             val_v.at[pl.ds(j * 128, 128)], sem_g))
    cp_z.wait()
    for c in copies:
        c.wait()
    zz = z_v[...]
    for t in range(BPW // 16):
        o = t * 16
        val_v[pl.ds(o, 16)] = val_v[pl.ds(o, 16)] - zz
    pltpu.sync_copy(val_v, out_hbm.at[pl.ds(base, BPW)])


def kernel(n, m, logits):
    flat3d, z2d = _prep(logits)
    flat = flat3d.reshape(-1)
    zflat = z2d.reshape(-1)
    return _sc_gather(flat, n.astype(jnp.int32), m.astype(jnp.int32), zflat)

# --- scband reference (transcript-rebuilt; emitter-appended) ---
"""Pipeline reference for scband-cardinality-43894565765772 (READ-ONLY COPY).

The authoritative reference and input builder live on the scoring server;
editing this copy changes nothing except your own understanding.
"""

import jax, jax.numpy as jnp
import numpy as np

MAX_ATOMS = 1024
MAX_BONDS = 1024
BATCH = 16384


def setup_inputs(seed: int = 0) -> dict:
    key = jax.random.key(seed)
    k1, k2, k3 = jax.random.split(key, 3)
    logits = jax.random.normal(k1, (MAX_ATOMS, MAX_BONDS), dtype=jnp.float32)
    n = jax.random.randint(k2, (BATCH,), 0, MAX_ATOMS, dtype=jnp.int64 if jax.config.jax_enable_x64 else jnp.int32)
    m = jax.random.randint(k3, (BATCH,), 0, MAX_BONDS, dtype=jnp.int64 if jax.config.jax_enable_x64 else jnp.int32)
    return {"n": n, "m": m, "logits": logits}


def reference(n, m, logits):
    # logs = logits.view(-1).log_softmax(-1).view(*logits.shape)
    flat = logits.reshape(-1)
    logs = jax.nn.log_softmax(flat, axis=-1).reshape(logits.shape)
    # return logs[n, m]  -> advanced-index gather
    return logs[n, m]

if __name__ == "__main__":
    import jax
    _d = setup_inputs()
    print(jax.jit(kernel)(*tuple(_d.values())))

</pallas_src>

<mosaic_0001>
#map = affine_map<(d0, d1) -> (0)>
module attributes {stable_mosaic.version = 14 : i64} {
  func.func @_sc_gather(%arg0: i32, %arg1: i32, %arg2: memref<1048576xf32, #tpu.memory_space<hbm>>, %arg3: memref<16384xi32, #tpu.memory_space<hbm>>, %arg4: memref<16384xi32, #tpu.memory_space<hbm>>, %arg5: memref<1024xf32, #tpu.memory_space<hbm>>, %arg6: memref<16384xf32, #tpu.memory_space<hbm>>, %arg7: memref<512xi32, #tpu.memory_space<vmem>>, %arg8: memref<512xi32, #tpu.memory_space<vmem>>, %arg9: memref<4x128xi32, #tpu.memory_space<vmem>>, %arg10: memref<512xf32, #tpu.memory_space<vmem>>, %arg11: memref<16xf32, #tpu.memory_space<vmem>>, %arg12: memref<!tpu.dma_semaphore, #tpu.memory_space<semaphore_mem>>, %arg13: memref<!tpu.dma_semaphore, #tpu.memory_space<semaphore_mem>>) attributes {dimension_semantics = [#tpu.dimension_semantics<core_parallel>, #tpu.dimension_semantics<subcore_parallel>], iteration_bounds = array<i64: 2, 16>, scalar_prefetch = 0 : i64, scratch_operands = 7 : i64, tpu.core_type = #tpu.core_type<sc_vector_subcore>, window_params = [{transform_indices = #map}, {transform_indices = #map}, {transform_indices = #map}, {transform_indices = #map}, {transform_indices = #map}]} {
    %mul3A = arith.constant 2 : i32
    %mul3A_0 = arith.muli %arg1, %mul3A : i32
    %add3A = arith.addi %mul3A_0, %arg0 : i32
    %mul3A_1 = arith.constant 512 : i32
    %mul3A_2 = arith.muli %add3A, %mul3A_1 : i32
    %dma_start3A = tpu.memref_slice %arg3[%mul3A_2] : memref<16384xi32, #tpu.memory_space<hbm>> -> memref<512xi32, #tpu.memory_space<hbm>>
    %dma_start3A_3 = tpu.memref_slice %arg3[%mul3A_2] : memref<16384xi32, #tpu.memory_space<hbm>> -> memref<512xi32, #tpu.memory_space<hbm>>
    tpu.enqueue_dma source(%dma_start3A_3 : memref<512xi32, #tpu.memory_space<hbm>>) target(%arg7 : memref<512xi32, #tpu.memory_space<vmem>>) target_semaphore(%arg12 : memref<!tpu.dma_semaphore, #tpu.memory_space<semaphore_mem>>)
    %dma_start3A_4 = tpu.memref_slice %arg4[%mul3A_2] : memref<16384xi32, #tpu.memory_space<hbm>> -> memref<512xi32, #tpu.memory_space<hbm>>
    %dma_start3A_5 = tpu.memref_slice %arg4[%mul3A_2] : memref<16384xi32, #tpu.memory_space<hbm>> -> memref<512xi32, #tpu.memory_space<hbm>>
    tpu.enqueue_dma source(%dma_start3A_5 : memref<512xi32, #tpu.memory_space<hbm>>) target(%arg8 : memref<512xi32, #tpu.memory_space<vmem>>) target_semaphore(%arg12 : memref<!tpu.dma_semaphore, #tpu.memory_space<semaphore_mem>>)
    %dma_start3A_6 = arith.constant 0 : i32
    %dma_start3A_7 = tpu.memref_slice %arg5[%dma_start3A_6] : memref<1024xf32, #tpu.memory_space<hbm>> -> memref<16xf32, #tpu.memory_space<hbm>>
    %dma_start3A_8 = arith.constant 0 : i32
    %dma_start3A_9 = tpu.memref_slice %arg5[%dma_start3A_8] : memref<1024xf32, #tpu.memory_space<hbm>> -> memref<16xf32, #tpu.memory_space<hbm>>
    tpu.enqueue_dma source(%dma_start3A_9 : memref<16xf32, #tpu.memory_space<hbm>>) target(%arg11 : memref<16xf32, #tpu.memory_space<vmem>>) target_semaphore(%arg12 : memref<!tpu.dma_semaphore, #tpu.memory_space<semaphore_mem>>)
    %dma_wait3A = tpu.memref_slice %arg3[%mul3A_2] : memref<16384xi32, #tpu.memory_space<hbm>> -> memref<512xi32, #tpu.memory_space<hbm>>
    %dma_wait3A_10 = tpu.memref_slice %arg3[%mul3A_2] : memref<16384xi32, #tpu.memory_space<hbm>> -> memref<512xi32, #tpu.memory_space<hbm>>
    tpu.wait_dma2 semaphore(%arg12 : memref<!tpu.dma_semaphore, #tpu.memory_space<semaphore_mem>>) src(%dma_wait3A_10 : memref<512xi32, #tpu.memory_space<hbm>>) dst(%arg7 : memref<512xi32, #tpu.memory_space<vmem>>)
    %dma_wait3A_11 = tpu.memref_slice %arg4[%mul3A_2] : memref<16384xi32, #tpu.memory_space<hbm>> -> memref<512xi32, #tpu.memory_space<hbm>>
    %dma_wait3A_12 = tpu.memref_slice %arg4[%mul3A_2] : memref<16384xi32, #tpu.memory_space<hbm>> -> memref<512xi32, #tpu.memory_space<hbm>>
    tpu.wait_dma2 semaphore(%arg12 : memref<!tpu.dma_semaphore, #tpu.memory_space<semaphore_mem>>) src(%dma_wait3A_12 : memref<512xi32, #tpu.memory_space<hbm>>) dst(%arg8 : memref<512xi32, #tpu.memory_space<vmem>>)
    %get3A = arith.constant 0 : index
    %get3A_13 = tpu.vector_load %arg7[%get3A] {strides = array<i32>} : memref<512xi32, #tpu.memory_space<vmem>>, vector<16xi32>,
    %get3A_14 = vector.shape_cast %get3A_13 : vector<16xi32> to vector<16xi32>
    %get3A_15 = arith.constant 0 : index
    %get3A_16 = tpu.vector_load %arg8[%get3A_15] {strides = array<i32>} : memref<512xi32, #tpu.memory_space<vmem>>, vector<16xi32>,
    %get3A_17 = vector.shape_cast %get3A_16 : vector<16xi32> to vector<16xi32>
    %mul3A_18 = arith.constant 1024 : i32
    %mul3A_19 = vector.broadcast %mul3A_18 : i32 to vector<16xi32>
    %mul3A_20 = arith.muli %get3A_14, %mul3A_19 : vector<16xi32>
    %add3A_21 = arith.addi %mul3A_20, %get3A_17 : vector<16xi32>
    %swap3A = arith.constant 0 : i32
    %swap3A_22 = arith.index_cast %swap3A : i32 to index
    %swap3A_23 = arith.constant 0 : index
    %swap3A_24 = tpu.vector_load %arg9[%swap3A_22, %swap3A_23] {strides = array<i32>} : memref<4x128xi32, #tpu.memory_space<vmem>>, vector<1x16xi32>,
    %swap3A_25 = vector.shape_cast %swap3A_24 : vector<1x16xi32> to vector<16xi32>
    %swap3A_26 = vector.shape_cast %add3A_21 : vector<16xi32> to vector<1x16xi32>
    tpu.vector_store %arg9[%swap3A_22, %swap3A_23], %swap3A_26 {strides = array<i32>} : memref<4x128xi32, #tpu.memory_space<vmem>>, vector<1x16xi32>,
    %get3A_27 = arith.constant 16 : index
    %get3A_28 = tpu.vector_load %arg7[%get3A_27] {strides = array<i32>} : memref<512xi32, #tpu.memory_space<vmem>>, vector<16xi32>,
    %get3A_29 = vector.shape_cast %get3A_28 : vector<16xi32> to vector<16xi32>
    %get3A_30 = arith.constant 16 : index
    %get3A_31 = tpu.vector_load %arg8[%get3A_30] {strides = array<i32>} : memref<512xi32, #tpu.memory_space<vmem>>, vector<16xi32>,
    %get3A_32 = vector.shape_cast %get3A_31 : vector<16xi32> to vector<16xi32>
    %mul3A_33 = arith.constant 1024 : i32
    %mul3A_34 = vector.broadcast %mul3A_33 : i32 to vector<16xi32>
    %mul3A_35 = arith.muli %get3A_29, %mul3A_34 : vector<16xi32>
    %add3A_36 = arith.addi %mul3A_35, %get3A_32 : vector<16xi32>
    %swap3A_37 = arith.constant 0 : i32
    %swap3A_38 = arith.index_cast %swap3A_37 : i32 to index
    %swap3A_39 = arith.constant 16 : index
    %swap3A_40 = tpu.vector_load %arg9[%swap3A_38, %swap3A_39] {strides = array<i32>} : memref<4x128xi32, #tpu.memory_space<vmem>>, vector<1x16xi32>,
    %swap3A_41 = vector.shape_cast %swap3A_40 : vector<1x16xi32> to vector<16xi32>
    %swap3A_42 = vector.shape_cast %add3A_36 : vector<16xi32> to vector<1x16xi32>
    tpu.vector_store %arg9[%swap3A_38, %swap3A_39], %swap3A_42 {strides = array<i32>} : memref<4x128xi32, #tpu.memory_space<vmem>>, vector<1x16xi32>,
    %get3A_43 = arith.constant 32 : index
    %get3A_44 = tpu.vector_load %arg7[%get3A_43] {strides = array<i32>} : memref<512xi32, #tpu.memory_space<vmem>>, vector<16xi32>,
    %get3A_45 = vector.shape_cast %get3A_44 : vector<16xi32> to vector<16xi32>
    %get3A_46 = arith.constant 32 : index
    %get3A_47 = tpu.vector_load %arg8[%get3A_46] {strides = array<i32>} : memref<512xi32, #tpu.memory_space<vmem>>, vector<16xi32>,
    %get3A_48 = vector.shape_cast %get3A_47 : vector<16xi32> to vector<16xi32>
    %mul3A_49 = arith.constant 1024 : i32
    %mul3A_50 = vector.broadcast %mul3A_49 : i32 to vector<16xi32>
    %mul3A_51 = arith.muli %get3A_45, %mul3A_50 : vector<16xi32>
    %add3A_52 = arith.addi %mul3A_51, %get3A_48 : vector<16xi32>
    %swap3A_53 = arith.constant 0 : i32
    %swap3A_54 = arith.index_cast %swap3A_53 : i32 to index
    %swap3A_55 = arith.constant 32 : index
    %swap3A_56 = tpu.vector_load %arg9[%swap3A_54, %swap3A_55] {strides = array<i32>} : memref<4x128xi32, #tpu.memory_space<vmem>>, vector<1x16xi32>,
    %swap3A_57 = vector.shape_cast %swap3A_56 : vector<1x16xi32> to vector<16xi32>
    %swap3A_58 = vector.shape_cast %add3A_52 : vector<16xi32> to vector<1x16xi32>
    tpu.vector_store %arg9[%swap3A_54, %swap3A_55], %swap3A_58 {strides = array<i32>} : memref<4x128xi32, #tpu.memory_space<vmem>>, vector<1x16xi32>,
    %get3A_59 = arith.constant 48 : index
    %get3A_60 = tpu.vector_load %arg7[%get3A_59] {strides = array<i32>} : memref<512xi32, #tpu.memory_space<vmem>>, vector<16xi32>,
    %get3A_61 = vector.shape_cast %get3A_60 : vector<16xi32> to vector<16xi32>
    %get3A_62 = arith.constant 48 : index
    %get3A_63 = tpu.vector_load %arg8[%get3A_62] {strides = array<i32>} : memref<512xi32, #tpu.memory_space<vmem>>, vector<16xi32>,
    %get3A_64 = vector.shape_cast %get3A_63 : vector<16xi32> to vector<16xi32>
    %mul3A_65 = arith.constant 1024 : i32
    %mul3A_66 = vector.broadcast %mul3A_65 : i32 to vector<16xi32>
    %mul3A_67 = arith.muli %get3A_61, %mul3A_66 : vector<16xi32>
    %add3A_68 = arith.addi %mul3A_67, %get3A_64 : vector<16xi32>
    %swap3A_69 = arith.constant 0 : i32
    %swap3A_70 = arith.index_cast %swap3A_69 : i32 to index
    %swap3A_71 = arith.constant 48 : index
    %swap3A_72 = tpu.vector_load %arg9[%swap3A_70, %swap3A_71] {strides = array<i32>} : memref<4x128xi32, #tpu.memory_space<vmem>>, vector<1x16xi32>,
    %swap3A_73 = vector.shape_cast %swap3A_72 : vector<1x16xi32> to vector<16xi32>
    %swap3A_74 = vector.shape_cast %add3A_68 : vector<16xi32> to vector<1x16xi32>
    tpu.vector_store %arg9[%swap3A_70, %swap3A_71], %swap3A_74 {strides = array<i32>} : memref<4x128xi32, #tpu.memory_space<vmem>>, vector<1x16xi32>,
    %get3A_75 = arith.constant 64 : index
    %get3A_76 = tpu.vector_load %arg7[%get3A_75] {strides = array<i32>} : memref<512xi32, #tpu.memory_space<vmem>>, vector<16xi32>,
    %get3A_77 = vector.shape_cast %get3A_76 : vector<16xi32> to vector<16xi32>
    %get3A_78 = arith.constant 64 : index
    %get3A_79 = tpu.vector_load %arg8[%get3A_78] {strides = array<i32>} : memref<512xi32, #tpu.memory_space<vmem>>, vector<16xi32>,
    %get3A_80 = vector.shape_cast %get3A_79 : vector<16xi32> to vector<16xi32>
    %mul3A_81 = arith.constant 1024 : i32
    %mul3A_82 = vector.broadcast %mul3A_81 : i32 to vector<16xi32>
    %mul3A_83 = arith.muli %get3A_77, %mul3A_82 : vector<16xi32>
    %add3A_84 = arith.addi %mul3A_83, %get3A_80 : vector<16xi32>
    %swap3A_85 = arith.constant 0 : i32
    %swap3A_86 = arith.index_cast %swap3A_85 : i32 to index
    %swap3A_87 = arith.constant 64 : index
    %swap3A_88 = tpu.vector_load %arg9[%swap3A_86, %swap3A_87] {strides = array<i32>} : memref<4x128xi32, #tpu.memory_space<vmem>>, vector<1x16xi32>,
    %swap3A_89 = vector.shape_cast %swap3A_88 : vector<1x16xi32> to vector<16xi32>
    %swap3A_90 = vector.shape_cast %add3A_84 : vector<16xi32> to vector<1x16xi32>
    tpu.vector_store %arg9[%swap3A_86, %swap3A_87], %swap3A_90 {strides = array<i32>} : memref<4x128xi32, #tpu.memory_space<vmem>>, vector<1x16xi32>,
    %get3A_91 = arith.constant 80 : index
    %get3A_92 = tpu.vector_load %arg7[%get3A_91] {strides = array<i32>} : memref<512xi32, #tpu.memory_space<vmem>>, vector<16xi32>,
    %get3A_93 = vector.shape_cast %get3A_92 : vector<16xi32> to vector<16xi32>
    %get3A_94 = arith.constant 80 : index
    %get3A_95 = tpu.vector_load %arg8[%get3A_94] {strides = array<i32>} : memref<512xi32, #tpu.memory_space<vmem>>, vector<16xi32>,
    %get3A_96 = vector.shape_cast %get3A_95 : vector<16xi32> to vector<16xi32>
    %mul3A_97 = arith.constant 1024 : i32
    %mul3A_98 = vector.broadcast %mul3A_97 : i32 to vector<16xi32>
    %mul3A_99 = arith.muli %get3A_93, %mul3A_98 : vector<16xi32>
    %add3A_100 = arith.addi %mul3A_99, %get3A_96 : vector<16xi32>
    %swap3A_101 = arith.constant 0 : i32
    %swap3A_102 = arith.index_cast %swap3A_101 : i32 to index
    %swap3A_103 = arith.constant 80 : index
    %swap3A_104 = tpu.vector_load %arg9[%swap3A_102, %swap3A_103] {strides = array<i32>} : memref<4x128xi32, #tpu.memory_space<vmem>>, vector<1x16xi32>,
    %swap3A_105 = vector.shape_cast %swap3A_104 : vector<1x16xi32> to vector<16xi32>
    %swap3A_106 = vector.shape_cast %add3A_100 : vector<16xi32> to vector<1x16xi32>
    tpu.vector_store %arg9[%swap3A_102, %swap3A_103], %swap3A_106 {strides = array<i32>} : memref<4x128xi32, #tpu.memory_space<vmem>>, vector<1x16xi32>,
    %get3A_107 = arith.constant 96 : index
    %get3A_108 = tpu.vector_load %arg7[%get3A_107] {strides = array<i32>} : memref<512xi32, #tpu.memory_space<vmem>>, vector<16xi32>,
    %get3A_109 = vector.shape_cast %get3A_108 : vector<16xi32> to vector<16xi32>
    %get3A_110 = arith.constant 96 : index
    %get3A_111 = tpu.vector_load %arg8[%get3A_110] {strides = array<i32>} : memref<512xi32, #tpu.memory_space<vmem>>, vector<16xi32>,
    %get3A_112 = vector.shape_cast %get3A_111 : vector<16xi32> to vector<16xi32>
    %mul3A_113 = arith.constant 1024 : i32
    %mul3A_114 = vector.broadcast %mul3A_113 : i32 to vector<16xi32>
    %mul3A_115 = arith.muli %get3A_109, %mul3A_114 : vector<16xi32>
    %add3A_116 = arith.addi %mul3A_115, %get3A_112 : vector<16xi32>
    %swap3A_117 = arith.constant 0 : i32
    %swap3A_118 = arith.index_cast %swap3A_117 : i32 to index
    %swap3A_119 = arith.constant 96 : index
    %swap3A_120 = tpu.vector_load %arg9[%swap3A_118, %swap3A_119] {strides = array<i32>} : memref<4x128xi32, #tpu.memory_space<vmem>>, vector<1x16xi32>,
    %swap3A_121 = vector.shape_cast %swap3A_120 : vector<1x16xi32> to vector<16xi32>
    %swap3A_122 = vector.shape_cast %add3A_116 : vector<16xi32> to vector<1x16xi32>
    tpu.vector_store %arg9[%swap3A_118, %swap3A_119], %swap3A_122 {strides = array<i32>} : memref<4x128xi32, #tpu.memory_space<vmem>>, vector<1x16xi32>,
    %get3A_123 = arith.constant 112 : index
    %get3A_124 = tpu.vector_load %arg7[%get3A_123] {strides = array<i32>} : memref<512xi32, #tpu.memory_space<vmem>>, vector<16xi32>,
    %get3A_125 = vector.shape_cast %get3A_124 : vector<16xi32> to vector<16xi32>
    %get3A_126 = arith.constant 112 : index
    %get3A_127 = tpu.vector_load %arg8[%get3A_126] {strides = array<i32>} : memref<512xi32, #tpu.memory_space<vmem>>, vector<16xi32>,
    %get3A_128 = vector.shape_cast %get3A_127 : vector<16xi32> to vector<16xi32>
    %mul3A_129 = arith.constant 1024 : i32
    %mul3A_130 = vector.broadcast %mul3A_129 : i32 to vector<16xi32>
    %mul3A_131 = arith.muli %get3A_125, %mul3A_130 : vector<16xi32>
    %add3A_132 = arith.addi %mul3A_131, %get3A_128 : vector<16xi32>
    %swap3A_133 = arith.constant 0 : i32
    %swap3A_134 = arith.index_cast %swap3A_133 : i32 to index
    %swap3A_135 = arith.constant 112 : index
    %swap3A_136 = tpu.vector_load %arg9[%swap3A_134, %swap3A_135] {strides = array<i32>} : memref<4x128xi32, #tpu.memory_space<vmem>>, vector<1x16xi32>,
    %swap3A_137 = vector.shape_cast %swap3A_136 : vector<1x16xi32> to vector<16xi32>
    %swap3A_138 = vector.shape_cast %add3A_132 : vector<16xi32> to vector<1x16xi32>
    tpu.vector_store %arg9[%swap3A_134, %swap3A_135], %swap3A_138 {strides = array<i32>} : memref<4x128xi32, #tpu.memory_space<vmem>>, vector<1x16xi32>,
    %dma_start3A_139 = arith.constant 0 : i32
    %dma_start3A_140 = arith.constant 0 : i32
    %dma_start3A_141 = tpu.memref_slice %arg10[%dma_start3A_140] : memref<512xf32, #tpu.memory_space<vmem>> -> memref<128xf32, #tpu.memory_space<vmem>>
    %dma_start3A_142 = arith.constant 0 : i32
    %dma_start3A_143 = tpu.memref_slice %arg9[%dma_start3A_139, %dma_start3A_142] : memref<4x128xi32, #tpu.memory_space<vmem>> -> memref<1x128xi32, #tpu.memory_space<vmem>>
    %dma_start3A_144 = tpu.memref_squeeze %dma_start3A_143 : memref<1x128xi32, #tpu.memory_space<vmem>> -> memref<128xi32, #tpu.memory_space<vmem>>
    %dma_start3A_145 = arith.constant 0 : i32
    %dma_start3A_146 = tpu.memref_slice %arg2[%dma_start3A_145] : memref<1048576xf32, #tpu.memory_space<hbm>> -> memref<1048576xf32, #tpu.memory_space<hbm>>
    tpu.enqueue_indirect_dma source(%dma_start3A_146 : memref<1048576xf32, #tpu.memory_space<hbm>>) target(%dma_start3A_141 : memref<128xf32, #tpu.memory_space<vmem>>) offsets(%dma_start3A_144 : memref<128xi32, #tpu.memory_space<vmem>>) semaphore(%arg13 : memref<!tpu.dma_semaphore, #tpu.memory_space<semaphore_mem>>)
    %get3A_147 = arith.constant 128 : index
    %get3A_148 = tpu.vector_load %arg7[%get3A_147] {strides = array<i32>} : memref<512xi32, #tpu.memory_space<vmem>>, vector<16xi32>,
    %get3A_149 = vector.shape_cast %get3A_148 : vector<16xi32> to vector<16xi32>
    %get3A_150 = arith.constant 128 : index
    %get3A_151 = tpu.vector_load %arg8[%get3A_150] {strides = array<i32>} : memref<512xi32, #tpu.memory_space<vmem>>, vector<16xi32>,
    %get3A_152 = vector.shape_cast %get3A_151 : vector<16xi32> to vector<16xi32>
    %mul3A_153 = arith.constant 1024 : i32
    %mul3A_154 = vector.broadcast %mul3A_153 : i32 to vector<16xi32>
    %mul3A_155 = arith.muli %get3A_149, %mul3A_154 : vector<16xi32>
    %add3A_156 = arith.addi %mul3A_155, %get3A_152 : vector<16xi32>
    %swap3A_157 = arith.constant 1 : i32
    %swap3A_158 = arith.index_cast %swap3A_157 : i32 to index
    %swap3A_159 = arith.constant 0 : index
    %swap3A_160 = tpu.vector_load %arg9[%swap3A_158, %swap3A_159] {strides = array<i32>} : memref<4x128xi32, #tpu.memory_space<vmem>>, vector<1x16xi32>,
    %swap3A_161 = vector.shape_cast %swap3A_160 : vector<1x16xi32> to vector<16xi32>
    %swap3A_162 = vector.shape_cast %add3A_156 : vector<16xi32> to vector<1x16xi32>
    tpu.vector_store %arg9[%swap3A_158, %swap3A_159], %swap3A_162 {strides = array<i32>} : memref<4x128xi32, #tpu.memory_space<vmem>>, vector<1x16xi32>,
    %get3A_163 = arith.constant 144 : index
    %get3A_164 = tpu.vector_load %arg7[%get3A_163] {strides = array<i32>} : memref<512xi32, #tpu.memory_space<vmem>>, vector<16xi32>,
    %get3A_165 = vector.shape_cast %get3A_164 : vector<16xi32> to vector<16xi32>
    %get3A_166 = arith.constant 144 : index
    %get3A_167 = tpu.vector_load %arg8[%get3A_166] {strides = array<i32>} : memref<512xi32, #tpu.memory_space<vmem>>, vector<16xi32>,
    %get3A_168 = vector.shape_cast %get3A_167 : vector<16xi32> to vector<16xi32>
    %mul3A_169 = arith.constant 1024 : i32
    %mul3A_170 = vector.broadcast %mul3A_169 : i32 to vector<16xi32>
    %mul3A_171 = arith.muli %get3A_165, %mul3A_170 : vector<16xi32>
    %add3A_172 = arith.addi %mul3A_171, %get3A_168 : vector<16xi32>
    %swap3A_173 = arith.constant 1 : i32
    %swap3A_174 = arith.index_cast %swap3A_173 : i32 to index
    %swap3A_175 = arith.constant 16 : index
    %swap3A_176 = tpu.vector_load %arg9[%swap3A_174, %swap3A_175] {strides = array<i32>} : memref<4x128xi32, #tpu.memory_space<vmem>>, vector<1x16xi32>,
    %swap3A_177 = vector.shape_cast %swap3A_176 : vector<1x16xi32> to vector<16xi32>
    %swap3A_178 = vector.shape_cast %add3A_172 : vector<16xi32> to vector<1x16xi32>
    tpu.vector_store %arg9[%swap3A_174, %swap3A_175], %swap3A_178 {strides = array<i32>} : memref<4x128xi32, #tpu.memory_space<vmem>>, vector<1x16xi32>,
    %get3A_179 = arith.constant 160 : index
    %get3A_180 = tpu.vector_load %arg7[%get3A_179] {strides = array<i32>} : memref<512xi32, #tpu.memory_space<vmem>>, vector<16xi32>,
    %get3A_181 = vector.shape_cast %get3A_180 : vector<16xi32> to vector<16xi32>
    %get3A_182 = arith.constant 160 : index
    %get3A_183 = tpu.vector_load %arg8[%get3A_182] {strides = array<i32>} : memref<512xi32, #tpu.memory_space<vmem>>, vector<16xi32>,
    %get3A_184 = vector.shape_cast %get3A_183 : vector<16xi32> to vector<16xi32>
    %mul3A_185 = arith.constant 1024 : i32
    %mul3A_186 = vector.broadcast %mul3A_185 : i32 to vector<16xi32>
    %mul3A_187 = arith.muli %get3A_181, %mul3A_186 : vector<16xi32>
    %add3A_188 = arith.addi %mul3A_187, %get3A_184 : vector<16xi32>
    %swap3A_189 = arith.constant 1 : i32
    %swap3A_190 = arith.index_cast %swap3A_189 : i32 to index
    %swap3A_191 = arith.constant 32 : index
    %swap3A_192 = tpu.vector_load %arg9[%swap3A_190, %swap3A_191] {strides = array<i32>} : memref<4x128xi32, #tpu.memory_space<vmem>>, vector<1x16xi32>,
    %swap3A_193 = vector.shape_cast %swap3A_192 : vector<1x16xi32> to vector<16xi32>
    %swap3A_194 = vector.shape_cast %add3A_188 : vector<16xi32> to vector<1x16xi32>
    tpu.vector_store %arg9[%swap3A_190, %swap3A_191], %swap3A_194 {strides = array<i32>} : memref<4x128xi32, #tpu.memory_space<vmem>>, vector<1x16xi32>,
    %get3A_195 = arith.constant 176 : index
    %get3A_196 = tpu.vector_load %arg7[%get3A_195] {strides = array<i32>} : memref<512xi32, #tpu.memory_space<vmem>>, vector<16xi32>,
    %get3A_197 = vector.shape_cast %get3A_196 : vector<16xi32> to vector<16xi32>
    %get3A_198 = arith.constant 176 : index
    %get3A_199 = tpu.vector_load %arg8[%get3A_198] {strides = array<i32>} : memref<512xi32, #tpu.memory_space<vmem>>, vector<16xi32>,
    %get3A_200 = vector.shape_cast %get3A_199 : vector<16xi32> to vector<16xi32>
    %mul3A_201 = arith.constant 1024 : i32
    %mul3A_202 = vector.broadcast %mul3A_201 : i32 to vector<16xi32>
    %mul3A_203 = arith.muli %get3A_197, %mul3A_202 : vector<16xi32>
    %add3A_204 = arith.addi %mul3A_203, %get3A_200 : vector<16xi32>
    %swap3A_205 = arith.constant 1 : i32
    %swap3A_206 = arith.index_cast %swap3A_205 : i32 to index
    %swap3A_207 = arith.constant 48 : index
    %swap3A_208 = tpu.vector_load %arg9[%swap3A_206, %swap3A_207] {strides = array<i32>} : memref<4x128xi32, #tpu.memory_space<vmem>>, vector<1x16xi32>,
    %swap3A_209 = vector.shape_cast %swap3A_208 : vector<1x16xi32> to vector<16xi32>
    %swap3A_210 = vector.shape_cast %add3A_204 : vector<16xi32> to vector<1x16xi32>
    tpu.vector_store %arg9[%swap3A_206, %swap3A_207], %swap3A_210 {strides = array<i32>} : memref<4x128xi32, #tpu.memory_space<vmem>>, vector<1x16xi32>,
    %get3A_211 = arith.constant 192 : index
    %get3A_212 = tpu.vector_load %arg7[%get3A_211] {strides = array<i32>} : memref<512xi32, #tpu.memory_space<vmem>>, vector<16xi32>,
    %get3A_213 = vector.shape_cast %get3A_212 : vector<16xi32> to vector<16xi32>
    %get3A_214 = arith.constant 192 : index
    %get3A_215 = tpu.vector_load %arg8[%get3A_214] {strides = array<i32>} : memref<512xi32, #tpu.memory_space<vmem>>, vector<16xi32>,
    %get3A_216 = vector.shape_cast %get3A_215 : vector<16xi32> to vector<16xi32>
    %mul3A_217 = arith.constant 1024 : i32
    %mul3A_218 = vector.broadcast %mul3A_217 : i32 to vector<16xi32>
    %mul3A_219 = arith.muli %get3A_213, %mul3A_218 : vector<16xi32>
    %add3A_220 = arith.addi %mul3A_219, %get3A_216 : vector<16xi32>
    %swap3A_221 = arith.constant 1 : i32
    %swap3A_222 = arith.index_cast %swap3A_221 : i32 to index
    %swap3A_223 = arith.constant 64 : index
    %swap3A_224 = tpu.vector_load %arg9[%swap3A_222, %swap3A_223] {strides = array<i32>} : memref<4x128xi32, #tpu.memory_space<vmem>>, vector<1x16xi32>,
    %swap3A_225 = vector.shape_cast %swap3A_224 : vector<1x16xi32> to vector<16xi32>
    %swap3A_226 = vector.shape_cast %add3A_220 : vector<16xi32> to vector<1x16xi32>
    tpu.vector_store %arg9[%swap3A_222, %swap3A_223], %swap3A_226 {strides = array<i32>} : memref<4x128xi32, #tpu.memory_space<vmem>>, vector<1x16xi32>,
    %get3A_227 = arith.constant 208 : index
    %get3A_228 = tpu.vector_load %arg7[%get3A_227] {strides = array<i32>} : memref<512xi32, #tpu.memory_space<vmem>>, vector<16xi32>,
    %get3A_229 = vector.shape_cast %get3A_228 : vector<16xi32> to vector<16xi32>
    %get3A_230 = arith.constant 208 : index
    %get3A_231 = tpu.vector_load %arg8[%get3A_230] {strides = array<i32>} : memref<512xi32, #tpu.memory_space<vmem>>, vector<16xi32>,
    %get3A_232 = vector.shape_cast %get3A_231 : vector<16xi32> to vector<16xi32>
    %mul3A_233 = arith.constant 1024 : i32
    %mul3A_234 = vector.broadcast %mul3A_233 : i32 to vector<16xi32>
    %mul3A_235 = arith.muli %get3A_229, %mul3A_234 : vector<16xi32>
    %add3A_236 = arith.addi %mul3A_235, %get3A_232 : vector<16xi32>
    %swap3A_237 = arith.constant 1 : i32
    %swap3A_238 = arith.index_cast %swap3A_237 : i32 to index
    %swap3A_239 = arith.constant 80 : index
    %swap3A_240 = tpu.vector_load %arg9[%swap3A_238, %swap3A_239] {strides = array<i32>} : memref<4x128xi32, #tpu.memory_space<vmem>>, vector<1x16xi32>,
    %swap3A_241 = vector.shape_cast %swap3A_240 : vector<1x16xi32> to vector<16xi32>
    %swap3A_242 = vector.shape_cast %add3A_236 : vector<16xi32> to vector<1x16xi32>
    tpu.vector_store %arg9[%swap3A_238, %swap3A_239], %swap3A_242 {strides = array<i32>} : memref<4x128xi32, #tpu.memory_space<vmem>>, vector<1x16xi32>,
    %get3A_243 = arith.constant 224 : index
    %get3A_244 = tpu.vector_load %arg7[%get3A_243] {strides = array<i32>} : memref<512xi32, #tpu.memory_space<vmem>>, vector<16xi32>,
    %get3A_245 = vector.shape_cast %get3A_244 : vector<16xi32> to vector<16xi32>
    %get3A_246 = arith.constant 224 : index
    %get3A_247 = tpu.vector_load %arg8[%get3A_246] {strides = array<i32>} : memref<512xi32, #tpu.memory_space<vmem>>, vector<16xi32>,
    %get3A_248 = vector.shape_cast %get3A_247 : vector<16xi32> to vector<16xi32>
    %mul3A_249 = arith.constant 1024 : i32
    %mul3A_250 = vector.broadcast %mul3A_249 : i32 to vector<16xi32>
    %mul3A_251 = arith.muli %get3A_245, %mul3A_250 : vector<16xi32>
    %add3A_252 = arith.addi %mul3A_251, %get3A_248 : vector<16xi32>
    %swap3A_253 = arith.constant 1 : i32
    %swap3A_254 = arith.index_cast %swap3A_253 : i32 to index
    %swap3A_255 = arith.constant 96 : index
    %swap3A_256 = tpu.vector_load %arg9[%swap3A_254, %swap3A_255] {strides = array<i32>} : memref<4x128xi32, #tpu.memory_space<vmem>>, vector<1x16xi32>,
    %swap3A_257 = vector.shape_cast %swap3A_256 : vector<1x16xi32> to vector<16xi32>
    %swap3A_258 = vector.shape_cast %add3A_252 : vector<16xi32> to vector<1x16xi32>
    tpu.vector_store %arg9[%swap3A_254, %swap3A_255], %swap3A_258 {strides = array<i32>} : memref<4x128xi32, #tpu.memory_space<vmem>>, vector<1x16xi32>,
    %get3A_259 = arith.constant 240 : index
    %get3A_260 = tpu.vector_load %arg7[%get3A_259] {strides = array<i32>} : memref<512xi32, #tpu.memory_space<vmem>>, vector<16xi32>,
    %get3A_261 = vector.shape_cast %get3A_260 : vector<16xi32> to vector<16xi32>
    %get3A_262 = arith.constant 240 : index
    %get3A_263 = tpu.vector_load %arg8[%get3A_262] {strides = array<i32>} : memref<512xi32, #tpu.memory_space<vmem>>, vector<16xi32>,
    %get3A_264 = vector.shape_cast %get3A_263 : vector<16xi32> to vector<16xi32>
    %mul3A_265 = arith.constant 1024 : i32
    %mul3A_266 = vector.broadcast %mul3A_265 : i32 to vector<16xi32>
    %mul3A_267 = arith.muli %get3A_261, %mul3A_266 : vector<16xi32>
    %add3A_268 = arith.addi %mul3A_267, %get3A_264 : vector<16xi32>
    %swap3A_269 = arith.constant 1 : i32
    %swap3A_270 = arith.index_cast %swap3A_269 : i32 to index
    %swap3A_271 = arith.constant 112 : index
    %swap3A_272 = tpu.vector_load %arg9[%swap3A_270, %swap3A_271] {strides = array<i32>} : memref<4x128xi32, #tpu.memory_space<vmem>>, vector<1x16xi32>,
    %swap3A_273 = vector.shape_cast %swap3A_272 : vector<1x16xi32> to vector<16xi32>
    %swap3A_274 = vector.shape_cast %add3A_268 : vector<16xi32> to vector<1x16xi32>
    tpu.vector_store %arg9[%swap3A_270, %swap3A_271], %swap3A_274 {strides = array<i32>} : memref<4x128xi32, #tpu.memory_space<vmem>>, vector<1x16xi32>,
    %dma_start3A_275 = arith.constant 1 : i32
    %dma_start3A_276 = arith.constant 128 : i32
    %dma_start3A_277 = tpu.memref_slice %arg10[%dma_start3A_276] : memref<512xf32, #tpu.memory_space<vmem>> -> memref<128xf32, #tpu.memory_space<vmem>>
    %dma_start3A_278 = arith.constant 0 : i32
    %dma_start3A_279 = tpu.memref_slice %arg9[%dma_start3A_275, %dma_start3A_278] : memref<4x128xi32, #tpu.memory_space<vmem>> -> memref<1x128xi32, #tpu.memory_space<vmem>>
    %dma_start3A_280 = tpu.memref_squeeze %dma_start3A_279 : memref<1x128xi32, #tpu.memory_space<vmem>> -> memref<128xi32, #tpu.memory_space<vmem>>
    %dma_start3A_281 = arith.constant 0 : i32
    %dma_start3A_282 = tpu.memref_slice %arg2[%dma_start3A_281] : memref<1048576xf32, #tpu.memory_space<hbm>> -> memref<1048576xf32, #tpu.memory_space<hbm>>
    tpu.enqueue_indirect_dma source(%dma_start3A_282 : memref<1048576xf32, #tpu.memory_space<hbm>>) target(%dma_start3A_277 : memref<128xf32, #tpu.memory_space<vmem>>) offsets(%dma_start3A_280 : memref<128xi32, #tpu.memory_space<vmem>>) semaphore(%arg13 : memref<!tpu.dma_semaphore, #tpu.memory_space<semaphore_mem>>)
    %get3A_283 = arith.constant 256 : index
    %get3A_284 = tpu.vector_load %arg7[%get3A_283] {strides = array<i32>} : memref<512xi32, #tpu.memory_space<vmem>>, vector<16xi32>,
    %get3A_285 = vector.shape_cast %get3A_284 : vector<16xi32> to vector<16xi32>
    %get3A_286 = arith.constant 256 : index
    %get3A_287 = tpu.vector_load %arg8[%get3A_286] {strides = array<i32>} : memref<512xi32, #tpu.memory_space<vmem>>, vector<16xi32>,
    %get3A_288 = vector.shape_cast %get3A_287 : vector<16xi32> to vector<16xi32>
    %mul3A_289 = arith.constant 1024 : i32
    %mul3A_290 = vector.broadcast %mul3A_289 : i32 to vector<16xi32>
    %mul3A_291 = arith.muli %get3A_285, %mul3A_290 : vector<16xi32>
    %add3A_292 = arith.addi %mul3A_291, %get3A_288 : vector<16xi32>
    %swap3A_293 = arith.constant 2 : i32
    %swap3A_294 = arith.index_cast %swap3A_293 : i32 to index
    %swap3A_295 = arith.constant 0 : index
    %swap3A_296 = tpu.vector_load %arg9[%swap3A_294, %swap3A_295] {strides = array<i32>} : memref<4x128xi32, #tpu.memory_space<vmem>>, vector<1x16xi32>,
    %swap3A_297 = vector.shape_cast %swap3A_296 : vector<1x16xi32> to vector<16xi32>
    %swap3A_298 = vector.shape_cast %add3A_292 : vector<16xi32> to vector<1x16xi32>
    tpu.vector_store %arg9[%swap3A_294, %swap3A_295], %swap3A_298 {strides = array<i32>} : memref<4x128xi32, #tpu.memory_space<vmem>>, vector<1x16xi32>,
    %get3A_299 = arith.constant 272 : index
    %get3A_300 = tpu.vector_load %arg7[%get3A_299] {strides = array<i32>} : memref<512xi32, #tpu.memory_space<vmem>>, vector<16xi32>,
    %get3A_301 = vector.shape_cast %get3A_300 : vector<16xi32> to vector<16xi32>
    %get3A_302 = arith.constant 272 : index
    %get3A_303 = tpu.vector_load %arg8[%get3A_302] {strides = array<i32>} : memref<512xi32, #tpu.memory_space<vmem>>, vector<16xi32>,
    %get3A_304 = vector.shape_cast %get3A_303 : vector<16xi32> to vector<16xi32>
    %mul3A_305 = arith.constant 1024 : i32
    %mul3A_306 = vector.broadcast %mul3A_305 : i32 to vector<16xi32>
    %mul3A_307 = arith.muli %get3A_301, %mul3A_306 : vector<16xi32>
    %add3A_308 = arith.addi %mul3A_307, %get3A_304 : vector<16xi32>
    %swap3A_309 = arith.constant 2 : i32
    %swap3A_310 = arith.index_cast %swap3A_309 : i32 to index
    %swap3A_311 = arith.constant 16 : index
    %swap3A_312 = tpu.vector_load %arg9[%swap3A_310, %swap3A_311] {strides = array<i32>} : memref<4x128xi32, #tpu.memory_space<vmem>>, vector<1x16xi32>,
    %swap3A_313 = vector.shape_cast %swap3A_312 : vector<1x16xi32> to vector<16xi32>
    %swap3A_314 = vector.shape_cast %add3A_308 : vector<16xi32> to vector<1x16xi32>
    tpu.vector_store %arg9[%swap3A_310, %swap3A_311], %swap3A_314 {strides = array<i32>} : memref<4x128xi32, #tpu.memory_space<vmem>>, vector<1x16xi32>,
    %get3A_315 = arith.constant 288 : index
    %get3A_316 = tpu.vector_load %arg7[%get3A_315] {strides = array<i32>} : memref<512xi32, #tpu.memory_space<vmem>>, vector<16xi32>,
    %get3A_317 = vector.shape_cast %get3A_316 : vector<16xi32> to vector<16xi32>
    %get3A_318 = arith.constant 288 : index
    %get3A_319 = tpu.vector_load %arg8[%get3A_318] {strides = array<i32>} : memref<512xi32, #tpu.memory_space<vmem>>, vector<16xi32>,
    %get3A_320 = vector.shape_cast %get3A_319 : vector<16xi32> to vector<16xi32>
    %mul3A_321 = arith.constant 1024 : i32
    %mul3A_322 = vector.broadcast %mul3A_321 : i32 to vector<16xi32>
    %mul3A_323 = arith.muli %get3A_317, %mul3A_322 : vector<16xi32>
    %add3A_324 = arith.addi %mul3A_323, %get3A_320 : vector<16xi32>
    %swap3A_325 = arith.constant 2 : i32
    %swap3A_326 = arith.index_cast %swap3A_325 : i32 to index
    %swap3A_327 = arith.constant 32 : index
    %swap3A_328 = tpu.vector_load %arg9[%swap3A_326, %swap3A_327] {strides = array<i32>} : memref<4x128xi32, #tpu.memory_space<vmem>>, vector<1x16xi32>,
    %swap3A_329 = vector.shape_cast %swap3A_328 : vector<1x16xi32> to vector<16xi32>
    %swap3A_330 = vector.shape_cast %add3A_324 : vector<16xi32> to vector<1x16xi32>
    tpu.vector_store %arg9[%swap3A_326, %swap3A_327], %swap3A_330 {strides = array<i32>} : memref<4x128xi32, #tpu.memory_space<vmem>>, vector<1x16xi32>,
    %get3A_331 = arith.constant 304 : index
    %get3A_332 = tpu.vector_load %arg7[%get3A_331] {strides = array<i32>} : memref<512xi32, #tpu.memory_space<vmem>>, vector<16xi32>,
    %get3A_333 = vector.shape_cast %get3A_332 : vector<16xi32> to vector<16xi32>
    %get3A_334 = arith.constant 304 : index
    %get3A_335 = tpu.vector_load %arg8[%get3A_334] {strides = array<i32>} : memref<512xi32, #tpu.memory_space<vmem>>, vector<16xi32>,
    %get3A_336 = vector.shape_cast %get3A_335 : vector<16xi32> to vector<16xi32>
    %mul3A_337 = arith.constant 1024 : i32
    %mul3A_338 = vector.broadcast %mul3A_337 : i32 to vector<16xi32>
    %mul3A_339 = arith.muli %get3A_333, %mul3A_338 : vector<16xi32>
    %add3A_340 = arith.addi %mul3A_339, %get3A_336 : vector<16xi32>
    %swap3A_341 = arith.constant 2 : i32
    %swap3A_342 = arith.index_cast %swap3A_341 : i32 to index
    %swap3A_343 = arith.constant 48 : index
    %swap3A_344 = tpu.vector_load %arg9[%swap3A_342, %swap3A_343] {strides = array<i32>} : memref<4x128xi32, #tpu.memory_space<vmem>>, vector<1x16xi32>,
    %swap3A_345 = vector.shape_cast %swap3A_344 : vector<1x16xi32> to vector<16xi32>
    %swap3A_346 = vector.shape_cast %add3A_340 : vector<16xi32> to vector<1x16xi32>
    tpu.vector_store %arg9[%swap3A_342, %swap3A_343], %swap3A_346 {strides = array<i32>} : memref<4x128xi32, #tpu.memory_space<vmem>>, vector<1x16xi32>,
    %get3A_347 = arith.constant 320 : index
    %get3A_348 = tpu.vector_load %arg7[%get3A_347] {strides = array<i32>} : memref<512xi32, #tpu.memory_space<vmem>>, vector<16xi32>,
    %get3A_349 = vector.shape_cast %get3A_348 : vector<16xi32> to vector<16xi32>
    %get3A_350 = arith.constant 320 : index
    %get3A_351 = tpu.vector_load %arg8[%get3A_350] {strides = array<i32>} : memref<512xi32, #tpu.memory_space<vmem>>, vector<16xi32>,
    %get3A_352 = vector.shape_cast %get3A_351 : vector<16xi32> to vector<16xi32>
    %mul3A_353 = arith.constant 1024 : i32
    %mul3A_354 = vector.broadcast %mul3A_353 : i32 to vector<16xi32>
    %mul3A_355 = arith.muli %get3A_349, %mul3A_354 : vector<16xi32>
    %add3A_356 = arith.addi %mul3A_355, %get3A_352 : vector<16xi32>
    %swap3A_357 = arith.constant 2 : i32
    %swap3A_358 = arith.index_cast %swap3A_357 : i32 to index
    %swap3A_359 = arith.constant 64 : index
    %swap3A_360 = tpu.vector_load %arg9[%swap3A_358, %swap3A_359] {strides = array<i32>} : memref<4x128xi32, #tpu.memory_space<vmem>>, vector<1x16xi32>,
    %swap3A_361 = vector.shape_cast %swap3A_360 : vector<1x16xi32> to vector<16xi32>
    %swap3A_362 = vector.shape_cast %add3A_356 : vector<16xi32> to vector<1x16xi32>
    tpu.vector_store %arg9[%swap3A_358, %swap3A_359], %swap3A_362 {strides = array<i32>} : memref<4x128xi32, #tpu.memory_space<vmem>>, vector<1x16xi32>,
    %get3A_363 = arith.constant 336 : index
    %get3A_364 = tpu.vector_load %arg7[%get3A_363] {strides = array<i32>} : memref<512xi32, #tpu.memory_space<vmem>>, vector<16xi32>,
    %get3A_365 = vector.shape_cast %get3A_364 : vector<16xi32> to vector<16xi32>
    %get3A_366 = arith.constant 336 : index
    %get3A_367 = tpu.vector_load %arg8[%get3A_366] {strides = array<i32>} : memref<512xi32, #tpu.memory_space<vmem>>, vector<16xi32>,
    %get3A_368 = vector.shape_cast %get3A_367 : vector<16xi32> to vector<16xi32>
    %mul3A_369 = arith.constant 1024 : i32
    %mul3A_370 = vector.broadcast %mul3A_369 : i32 to vector<16xi32>
    %mul3A_371 = arith.muli %get3A_365, %mul3A_370 : vector<16xi32>
    %add3A_372 = arith.addi %mul3A_371, %get3A_368 : vector<16xi32>
    %swap3A_373 = arith.constant 2 : i32
    %swap3A_374 = arith.index_cast %swap3A_373 : i32 to index
    %swap3A_375 = arith.constant 80 : index
    %swap3A_376 = tpu.vector_load %arg9[%swap3A_374, %swap3A_375] {strides = array<i32>} : memref<4x128xi32, #tpu.memory_space<vmem>>, vector<1x16xi32>,
    %swap3A_377 = vector.shape_cast %swap3A_376 : vector<1x16xi32> to vector<16xi32>
    %swap3A_378 = vector.shape_cast %add3A_372 : vector<16xi32> to vector<1x16xi32>
    tpu.vector_store %arg9[%swap3A_374, %swap3A_375], %swap3A_378 {strides = array<i32>} : memref<4x128xi32, #tpu.memory_space<vmem>>, vector<1x16xi32>,
    %get3A_379 = arith.constant 352 : index
    %get3A_380 = tpu.vector_load %arg7[%get3A_379] {strides = array<i32>} : memref<512xi32, #tpu.memory_space<vmem>>, vector<16xi32>,
    %get3A_381 = vector.shape_cast %get3A_380 : vector<16xi32> to vector<16xi32>
    %get3A_382 = arith.constant 352 : index
    %get3A_383 = tpu.vector_load %arg8[%get3A_382] {strides = array<i32>} : memref<512xi32, #tpu.memory_space<vmem>>, vector<16xi32>,
    %get3A_384 = vector.shape_cast %get3A_383 : vector<16xi32> to vector<16xi32>
    %mul3A_385 = arith.constant 1024 : i32
    %mul3A_386 = vector.broadcast %mul3A_385 : i32 to vector<16xi32>
    %mul3A_387 = arith.muli %get3A_381, %mul3A_386 : vector<16xi32>
    %add3A_388 = arith.addi %mul3A_387, %get3A_384 : vector<16xi32>
    %swap3A_389 = arith.constant 2 : i32
    %swap3A_390 = arith.index_cast %swap3A_389 : i32 to index
    %swap3A_391 = arith.constant 96 : index
    %swap3A_392 = tpu.vector_load %arg9[%swap3A_390, %swap3A_391] {strides = array<i32>} : memref<4x128xi32, #tpu.memory_space<vmem>>, vector<1x16xi32>,
    %swap3A_393 = vector.shape_cast %swap3A_392 : vector<1x16xi32> to vector<16xi32>
    %swap3A_394 = vector.shape_cast %add3A_388 : vector<16xi32> to vector<1x16xi32>
    tpu.vector_store %arg9[%swap3A_390, %swap3A_391], %swap3A_394 {strides = array<i32>} : memref<4x128xi32, #tpu.memory_space<vmem>>, vector<1x16xi32>,
    %get3A_395 = arith.constant 368 : index
    %get3A_396 = tpu.vector_load %arg7[%get3A_395] {strides = array<i32>} : memref<512xi32, #tpu.memory_space<vmem>>, vector<16xi32>,
    %get3A_397 = vector.shape_cast %get3A_396 : vector<16xi32> to vector<16xi32>
    %get3A_398 = arith.constant 368 : index
    %get3A_399 = tpu.vector_load %arg8[%get3A_398] {strides = array<i32>} : memref<512xi32, #tpu.memory_space<vmem>>, vector<16xi32>,
    %get3A_400 = vector.shape_cast %get3A_399 : vector<16xi32> to vector<16xi32>
    %mul3A_401 = arith.constant 1024 : i32
    %mul3A_402 = vector.broadcast %mul3A_401 : i32 to vector<16xi32>
    %mul3A_403 = arith.muli %get3A_397, %mul3A_402 : vector<16xi32>
    %add3A_404 = arith.addi %mul3A_403, %get3A_400 : vector<16xi32>
    %swap3A_405 = arith.constant 2 : i32
    %swap3A_406 = arith.index_cast %swap3A_405 : i32 to index
    %swap3A_407 = arith.constant 112 : index
    %swap3A_408 = tpu.vector_load %arg9[%swap3A_406, %swap3A_407] {strides = array<i32>} : memref<4x128xi32, #tpu.memory_space<vmem>>, vector<1x16xi32>,
    %swap3A_409 = vector.shape_cast %swap3A_408 : vector<1x16xi32> to vector<16xi32>
    %swap3A_410 = vector.shape_cast %add3A_404 : vector<16xi32> to vector<1x16xi32>
    tpu.vector_store %arg9[%swap3A_406, %swap3A_407], %swap3A_410 {strides = array<i32>} : memref<4x128xi32, #tpu.memory_space<vmem>>, vector<1x16xi32>,
    %dma_start3A_411 = arith.constant 2 : i32
    %dma_start3A_412 = arith.constant 256 : i32
    %dma_start3A_413 = tpu.memref_slice %arg10[%dma_start3A_412] : memref<512xf32, #tpu.memory_space<vmem>> -> memref<128xf32, #tpu.memory_space<vmem>>
    %dma_start3A_414 = arith.constant 0 : i32
    %dma_start3A_415 = tpu.memref_slice %arg9[%dma_start3A_411, %dma_start3A_414] : memref<4x128xi32, #tpu.memory_space<vmem>> -> memref<1x128xi32, #tpu.memory_space<vmem>>
    %dma_start3A_416 = tpu.memref_squeeze %dma_start3A_415 : memref<1x128xi32, #tpu.memory_space<vmem>> -> memref<128xi32, #tpu.memory_space<vmem>>
    %dma_start3A_417 = arith.constant 0 : i32
    %dma_start3A_418 = tpu.memref_slice %arg2[%dma_start3A_417] : memref<1048576xf32, #tpu.memory_space<hbm>> -> memref<1048576xf32, #tpu.memory_space<hbm>>
    tpu.enqueue_indirect_dma source(%dma_start3A_418 : memref<1048576xf32, #tpu.memory_space<hbm>>) target(%dma_start3A_413 : memref<128xf32, #tpu.memory_space<vmem>>) offsets(%dma_start3A_416 : memref<128xi32, #tpu.memory_space<vmem>>) semaphore(%arg13 : memref<!tpu.dma_semaphore, #tpu.memory_space<semaphore_mem>>)
    %get3A_419 = arith.constant 384 : index
    %get3A_420 = tpu.vector_load %arg7[%get3A_419] {strides = array<i32>} : memref<512xi32, #tpu.memory_space<vmem>>, vector<16xi32>,
    %get3A_421 = vector.shape_cast %get3A_420 : vector<16xi32> to vector<16xi32>
    %get3A_422 = arith.constant 384 : index
    %get3A_423 = tpu.vector_load %arg8[%get3A_422] {strides = array<i32>} : memref<512xi32, #tpu.memory_space<vmem>>, vector<16xi32>,
    %get3A_424 = vector.shape_cast %get3A_423 : vector<16xi32> to vector<16xi32>
    %mul3A_425 = arith.constant 1024 : i32
    %mul3A_426 = vector.broadcast %mul3A_425 : i32 to vector<16xi32>
    %mul3A_427 = arith.muli %get3A_421, %mul3A_426 : vector<16xi32>
    %add3A_428 = arith.addi %mul3A_427, %get3A_424 : vector<16xi32>
    %swap3A_429 = arith.constant 3 : i32
    %swap3A_430 = arith.index_cast %swap3A_429 : i32 to index
    %swap3A_431 = arith.constant 0 : index
    %swap3A_432 = tpu.vector_load %arg9[%swap3A_430, %swap3A_431] {strides = array<i32>} : memref<4x128xi32, #tpu.memory_space<vmem>>, vector<1x16xi32>,
    %swap3A_433 = vector.shape_cast %swap3A_432 : vector<1x16xi32> to vector<16xi32>
    %swap3A_434 = vector.shape_cast %add3A_428 : vector<16xi32> to vector<1x16xi32>
    tpu.vector_store %arg9[%swap3A_430, %swap3A_431], %swap3A_434 {strides = array<i32>} : memref<4x128xi32, #tpu.memory_space<vmem>>, vector<1x16xi32>,
    %get3A_435 = arith.constant 400 : index
    %get3A_436 = tpu.vector_load %arg7[%get3A_435] {strides = array<i32>} : memref<512xi32, #tpu.memory_space<vmem>>, vector<16xi32>,
    %get3A_437 = vector.shape_cast %get3A_436 : vector<16xi32> to vector<16xi32>
    %get3A_438 = arith.constant 400 : index
    %get3A_439 = tpu.vector_load %arg8[%get3A_438] {strides = array<i32>} : memref<512xi32, #tpu.memory_space<vmem>>, vector<16xi32>,
    %get3A_440 = vector.shape_cast %get3A_439 : vector<16xi32> to vector<16xi32>
    %mul3A_441 = arith.constant 1024 : i32
    %mul3A_442 = vector.broadcast %mul3A_441 : i32 to vector<16xi32>
    %mul3A_443 = arith.muli %get3A_437, %mul3A_442 : vector<16xi32>
    %add3A_444 = arith.addi %mul3A_443, %get3A_440 : vector<16xi32>
    %swap3A_445 = arith.constant 3 : i32
    %swap3A_446 = arith.index_cast %swap3A_445 : i32 to index
    %swap3A_447 = arith.constant 16 : index
    %swap3A_448 = tpu.vector_load %arg9[%swap3A_446, %swap3A_447] {strides = array<i32>} : memref<4x128xi32, #tpu.memory_space<vmem>>, vector<1x16xi32>,
    %swap3A_449 = vector.shape_cast %swap3A_448 : vector<1x16xi32> to vector<16xi32>
    %swap3A_450 = vector.shape_cast %add3A_444 : vector<16xi32> to vector<1x16xi32>
    tpu.vector_store %arg9[%swap3A_446, %swap3A_447], %swap3A_450 {strides = array<i32>} : memref<4x128xi32, #tpu.memory_space<vmem>>, vector<1x16xi32>,
    %get3A_451 = arith.constant 416 : index
    %get3A_452 = tpu.vector_load %arg7[%get3A_451] {strides = array<i32>} : memref<512xi32, #tpu.memory_space<vmem>>, vector<16xi32>,
    %get3A_453 = vector.shape_cast %get3A_452 : vector<16xi32> to vector<16xi32>
    %get3A_454 = arith.constant 416 : index
    %get3A_455 = tpu.vector_load %arg8[%get3A_454] {strides = array<i32>} : memref<512xi32, #tpu.memory_space<vmem>>, vector<16xi32>,
    %get3A_456 = vector.shape_cast %get3A_455 : vector<16xi32> to vector<16xi32>
    %mul3A_457 = arith.constant 1024 : i32
    %mul3A_458 = vector.broadcast %mul3A_457 : i32 to vector<16xi32>
    %mul3A_459 = arith.muli %get3A_453, %mul3A_458 : vector<16xi32>
    %add3A_460 = arith.addi %mul3A_459, %get3A_456 : vector<16xi32>
    %swap3A_461 = arith.constant 3 : i32
    %swap3A_462 = arith.index_cast %swap3A_461 : i32 to index
    %swap3A_463 = arith.constant 32 : index
    %swap3A_464 = tpu.vector_load %arg9[%swap3A_462, %swap3A_463] {strides = array<i32>} : memref<4x128xi32, #tpu.memory_space<vmem>>, vector<1x16xi32>,
    %swap3A_465 = vector.shape_cast %swap3A_464 : vector<1x16xi32> to vector<16xi32>
    %swap3A_466 = vector.shape_cast %add3A_460 : vector<16xi32> to vector<1x16xi32>
    tpu.vector_store %arg9[%swap3A_462, %swap3A_463], %swap3A_466 {strides = array<i32>} : memref<4x128xi32, #tpu.memory_space<vmem>>, vector<1x16xi32>,
    %get3A_467 = arith.constant 432 : index
    %get3A_468 = tpu.vector_load %arg7[%get3A_467] {strides = array<i32>} : memref<512xi32, #tpu.memory_space<vmem>>, vector<16xi32>,
    %get3A_469 = vector.shape_cast %get3A_468 : vector<16xi32> to vector<16xi32>
    %get3A_470 = arith.constant 432 : index
    %get3A_471 = tpu.vector_load %arg8[%get3A_470] {strides = array<i32>} : memref<512xi32, #tpu.memory_space<vmem>>, vector<16xi32>,
    %get3A_472 = vector.shape_cast %get3A_471 : vector<16xi32> to vector<16xi32>
    %mul3A_473 = arith.constant 1024 : i32
    %mul3A_474 = vector.broadcast %mul3A_473 : i32 to vector<16xi32>
    %mul3A_475 = arith.muli %get3A_469, %mul3A_474 : vector<16xi32>
    %add3A_476 = arith.addi %mul3A_475, %get3A_472 : vector<16xi32>
    %swap3A_477 = arith.constant 3 : i32
    %swap3A_478 = arith.index_cast %swap3A_477 : i32 to index
    %swap3A_479 = arith.constant 48 : index
    %swap3A_480 = tpu.vector_load %arg9[%swap3A_478, %swap3A_479] {strides = array<i32>} : memref<4x128xi32, #tpu.memory_space<vmem>>, vector<1x16xi32>,
    %swap3A_481 = vector.shape_cast %swap3A_480 : vector<1x16xi32> to vector<16xi32>
    %swap3A_482 = vector.shape_cast %add3A_476 : vector<16xi32> to vector<1x16xi32>
    tpu.vector_store %arg9[%swap3A_478, %swap3A_479], %swap3A_482 {strides = array<i32>} : memref<4x128xi32, #tpu.memory_space<vmem>>, vector<1x16xi32>,
    %get3A_483 = arith.constant 448 : index
    %get3A_484 = tpu.vector_load %arg7[%get3A_483] {strides = array<i32>} : memref<512xi32, #tpu.memory_space<vmem>>, vector<16xi32>,
    %get3A_485 = vector.shape_cast %get3A_484 : vector<16xi32> to vector<16xi32>
    %get3A_486 = arith.constant 448 : index
    %get3A_487 = tpu.vector_load %arg8[%get3A_486] {strides = array<i32>} : memref<512xi32, #tpu.memory_space<vmem>>, vector<16xi32>,
    %get3A_488 = vector.shape_cast %get3A_487 : vector<16xi32> to vector<16xi32>
    %mul3A_489 = arith.constant 1024 : i32
    %mul3A_490 = vector.broadcast %mul3A_489 : i32 to vector<16xi32>
    %mul3A_491 = arith.muli %get3A_485, %mul3A_490 : vector<16xi32>
    %add3A_492 = arith.addi %mul3A_491, %get3A_488 : vector<16xi32>
    %swap3A_493 = arith.constant 3 : i32
    %swap3A_494 = arith.index_cast %swap3A_493 : i32 to index
    %swap3A_495 = arith.constant 64 : index
    %swap3A_496 = tpu.vector_load %arg9[%swap3A_494, %swap3A_495] {strides = array<i32>} : memref<4x128xi32, #tpu.memory_space<vmem>>, vector<1x16xi32>,
    %swap3A_497 = vector.shape_cast %swap3A_496 : vector<1x16xi32> to vector<16xi32>
    %swap3A_498 = vector.shape_cast %add3A_492 : vector<16xi32> to vector<1x16xi32>
    tpu.vector_store %arg9[%swap3A_494, %swap3A_495], %swap3A_498 {strides = array<i32>} : memref<4x128xi32, #tpu.memory_space<vmem>>, vector<1x16xi32>,
    %get3A_499 = arith.constant 464 : index
    %get3A_500 = tpu.vector_load %arg7[%get3A_499] {strides = array<i32>} : memref<512xi32, #tpu.memory_space<vmem>>, vector<16xi32>,
    %get3A_501 = vector.shape_cast %get3A_500 : vector<16xi32> to vector<16xi32>
    %get3A_502 = arith.constant 464 : index
    %get3A_503 = tpu.vector_load %arg8[%get3A_502] {strides = array<i32>} : memref<512xi32, #tpu.memory_space<vmem>>, vector<16xi32>,
    %get3A_504 = vector.shape_cast %get3A_503 : vector<16xi32> to vector<16xi32>
    %mul3A_505 = arith.constant 1024 : i32
    %mul3A_506 = vector.broadcast %mul3A_505 : i32 to vector<16xi32>
    %mul3A_507 = arith.muli %get3A_501, %mul3A_506 : vector<16xi32>
    %add3A_508 = arith.addi %mul3A_507, %get3A_504 : vector<16xi32>
    %swap3A_509 = arith.constant 3 : i32
    %swap3A_510 = arith.index_cast %swap3A_509 : i32 to index
    %swap3A_511 = arith.constant 80 : index
    %swap3A_512 = tpu.vector_load %arg9[%swap3A_510, %swap3A_511] {strides = array<i32>} : memref<4x128xi32, #tpu.memory_space<vmem>>, vector<1x16xi32>,
    %swap3A_513 = vector.shape_cast %swap3A_512 : vector<1x16xi32> to vector<16xi32>
    %swap3A_514 = vector.shape_cast %add3A_508 : vector<16xi32> to vector<1x16xi32>
    tpu.vector_store %arg9[%swap3A_510, %swap3A_511], %swap3A_514 {strides = array<i32>} : memref<4x128xi32, #tpu.memory_space<vmem>>, vector<1x16xi32>,
    %get3A_515 = arith.constant 480 : index
    %get3A_516 = tpu.vector_load %arg7[%get3A_515] {strides = array<i32>} : memref<512xi32, #tpu.memory_space<vmem>>, vector<16xi32>,
    %get3A_517 = vector.shape_cast %get3A_516 : vector<16xi32> to vector<16xi32>
    %get3A_518 = arith.constant 480 : index
    %get3A_519 = tpu.vector_load %arg8[%get3A_518] {strides = array<i32>} : memref<512xi32, #tpu.memory_space<vmem>>, vector<16xi32>,
    %get3A_520 = vector.shape_cast %get3A_519 : vector<16xi32> to vector<16xi32>
    %mul3A_521 = arith.constant 1024 : i32
    %mul3A_522 = vector.broadcast %mul3A_521 : i32 to vector<16xi32>
    %mul3A_523 = arith.muli %get3A_517, %mul3A_522 : vector<16xi32>
    %add3A_524 = arith.addi %mul3A_523, %get3A_520 : vector<16xi32>
    %swap3A_525 = arith.constant 3 : i32
    %swap3A_526 = arith.index_cast %swap3A_525 : i32 to index
    %swap3A_527 = arith.constant 96 : index
    %swap3A_528 = tpu.vector_load %arg9[%swap3A_526, %swap3A_527] {strides = array<i32>} : memref<4x128xi32, #tpu.memory_space<vmem>>, vector<1x16xi32>,
    %swap3A_529 = vector.shape_cast %swap3A_528 : vector<1x16xi32> to vector<16xi32>
    %swap3A_530 = vector.shape_cast %add3A_524 : vector<16xi32> to vector<1x16xi32>
    tpu.vector_store %arg9[%swap3A_526, %swap3A_527], %swap3A_530 {strides = array<i32>} : memref<4x128xi32, #tpu.memory_space<vmem>>, vector<1x16xi32>,
    %get3A_531 = arith.constant 496 : index
    %get3A_532 = tpu.vector_load %arg7[%get3A_531] {strides = array<i32>} : memref<512xi32, #tpu.memory_space<vmem>>, vector<16xi32>,
    %get3A_533 = vector.shape_cast %get3A_532 : vector<16xi32> to vector<16xi32>
    %get3A_534 = arith.constant 496 : index
    %get3A_535 = tpu.vector_load %arg8[%get3A_534] {strides = array<i32>} : memref<512xi32, #tpu.memory_space<vmem>>, vector<16xi32>,
    %get3A_536 = vector.shape_cast %get3A_535 : vector<16xi32> to vector<16xi32>
    %mul3A_537 = arith.constant 1024 : i32
    %mul3A_538 = vector.broadcast %mul3A_537 : i32 to vector<16xi32>
    %mul3A_539 = arith.muli %get3A_533, %mul3A_538 : vector<16xi32>
    %add3A_540 = arith.addi %mul3A_539, %get3A_536 : vector<16xi32>
    %swap3A_541 = arith.constant 3 : i32
    %swap3A_542 = arith.index_cast %swap3A_541 : i32 to index
    %swap3A_543 = arith.constant 112 : index
    %swap3A_544 = tpu.vector_load %arg9[%swap3A_542, %swap3A_543] {strides = array<i32>} : memref<4x128xi32, #tpu.memory_space<vmem>>, vector<1x16xi32>,
    %swap3A_545 = vector.shape_cast %swap3A_544 : vector<1x16xi32> to vector<16xi32>
    %swap3A_546 = vector.shape_cast %add3A_540 : vector<16xi32> to vector<1x16xi32>
    tpu.vector_store %arg9[%swap3A_542, %swap3A_543], %swap3A_546 {strides = array<i32>} : memref<4x128xi32, #tpu.memory_space<vmem>>, vector<1x16xi32>,
    %dma_start3A_547 = arith.constant 3 : i32
    %dma_start3A_548 = arith.constant 384 : i32
    %dma_start3A_549 = tpu.memref_slice %arg10[%dma_start3A_548] : memref<512xf32, #tpu.memory_space<vmem>> -> memref<128xf32, #tpu.memory_space<vmem>>
    %dma_start3A_550 = arith.constant 0 : i32
    %dma_start3A_551 = tpu.memref_slice %arg9[%dma_start3A_547, %dma_start3A_550] : memref<4x128xi32, #tpu.memory_space<vmem>> -> memref<1x128xi32, #tpu.memory_space<vmem>>
    %dma_start3A_552 = tpu.memref_squeeze %dma_start3A_551 : memref<1x128xi32, #tpu.memory_space<vmem>> -> memref<128xi32, #tpu.memory_space<vmem>>
    %dma_start3A_553 = arith.constant 0 : i32
    %dma_start3A_554 = tpu.memref_slice %arg2[%dma_start3A_553] : memref<1048576xf32, #tpu.memory_space<hbm>> -> memref<1048576xf32, #tpu.memory_space<hbm>>
    tpu.enqueue_indirect_dma source(%dma_start3A_554 : memref<1048576xf32, #tpu.memory_space<hbm>>) target(%dma_start3A_549 : memref<128xf32, #tpu.memory_space<vmem>>) offsets(%dma_start3A_552 : memref<128xi32, #tpu.memory_space<vmem>>) semaphore(%arg13 : memref<!tpu.dma_semaphore, #tpu.memory_space<semaphore_mem>>)
    %dma_wait3A_555 = arith.constant 0 : i32
    %dma_wait3A_556 = tpu.memref_slice %arg5[%dma_wait3A_555] : memref<1024xf32, #tpu.memory_space<hbm>> -> memref<16xf32, #tpu.memory_space<hbm>>
    %dma_wait3A_557 = arith.constant 0 : i32
    %dma_wait3A_558 = tpu.memref_slice %arg5[%dma_wait3A_557] : memref<1024xf32, #tpu.memory_space<hbm>> -> memref<16xf32, #tpu.memory_space<hbm>>
    tpu.wait_dma2 semaphore(%arg12 : memref<!tpu.dma_semaphore, #tpu.memory_space<semaphore_mem>>) src(%dma_wait3A_558 : memref<16xf32, #tpu.memory_space<hbm>>) dst(%arg11 : memref<16xf32, #tpu.memory_space<vmem>>)
    %dma_wait3A_559 = arith.constant 0 : i32
    %dma_wait3A_560 = arith.constant 0 : i32
    %dma_wait3A_561 = tpu.memref_slice %arg10[%dma_wait3A_560] : memref<512xf32, #tpu.memory_space<vmem>> -> memref<128xf32, #tpu.memory_space<vmem>>
    %dma_wait3A_562 = arith.constant 0 : i32
    %dma_wait3A_563 = tpu.memref_slice %arg9[%dma_wait3A_559, %dma_wait3A_562] : memref<4x128xi32, #tpu.memory_space<vmem>> -> memref<1x128xi32, #tpu.memory_space<vmem>>
    %dma_wait3A_564 = tpu.memref_squeeze %dma_wait3A_563 : memref<1x128xi32, #tpu.memory_space<vmem>> -> memref<128xi32, #tpu.memory_space<vmem>>
    %dma_wait3A_565 = arith.constant 0 : i32
    %dma_wait3A_566 = tpu.memref_slice %arg2[%dma_wait3A_565] : memref<1048576xf32, #tpu.memory_space<hbm>> -> memref<1048576xf32, #tpu.memory_space<hbm>>
    tpu.wait_indirect_dma semaphore(%arg13 : memref<!tpu.dma_semaphore, #tpu.memory_space<semaphore_mem>>) src(%dma_wait3A_566 : memref<1048576xf32, #tpu.memory_space<hbm>>) dst(%dma_wait3A_561 : memref<128xf32, #tpu.memory_space<vmem>>)
    %dma_wait3A_567 = arith.constant 1 : i32
    %dma_wait3A_568 = arith.constant 128 : i32
    %dma_wait3A_569 = tpu.memref_slice %arg10[%dma_wait3A_568] : memref<512xf32, #tpu.memory_space<vmem>> -> memref<128xf32, #tpu.memory_space<vmem>>
    %dma_wait3A_570 = arith.constant 0 : i32
    %dma_wait3A_571 = tpu.memref_slice %arg9[%dma_wait3A_567, %dma_wait3A_570] : memref<4x128xi32, #tpu.memory_space<vmem>> -> memref<1x128xi32, #tpu.memory_space<vmem>>
    %dma_wait3A_572 = tpu.memref_squeeze %dma_wait3A_571 : memref<1x128xi32, #tpu.memory_space<vmem>> -> memref<128xi32, #tpu.memory_space<vmem>>
    %dma_wait3A_573 = arith.constant 0 : i32
    %dma_wait3A_574 = tpu.memref_slice %arg2[%dma_wait3A_573] : memref<1048576xf32, #tpu.memory_space<hbm>> -> memref<1048576xf32, #tpu.memory_space<hbm>>
    tpu.wait_indirect_dma semaphore(%arg13 : memref<!tpu.dma_semaphore, #tpu.memory_space<semaphore_mem>>) src(%dma_wait3A_574 : memref<1048576xf32, #tpu.memory_space<hbm>>) dst(%dma_wait3A_569 : memref<128xf32, #tpu.memory_space<vmem>>)
    %dma_wait3A_575 = arith.constant 2 : i32
    %dma_wait3A_576 = arith.constant 256 : i32
    %dma_wait3A_577 = tpu.memref_slice %arg10[%dma_wait3A_576] : memref<512xf32, #tpu.memory_space<vmem>> -> memref<128xf32, #tpu.memory_space<vmem>>
    %dma_wait3A_578 = arith.constant 0 : i32
    %dma_wait3A_579 = tpu.memref_slice %arg9[%dma_wait3A_575, %dma_wait3A_578] : memref<4x128xi32, #tpu.memory_space<vmem>> -> memref<1x128xi32, #tpu.memory_space<vmem>>
    %dma_wait3A_580 = tpu.memref_squeeze %dma_wait3A_579 : memref<1x128xi32, #tpu.memory_space<vmem>> -> memref<128xi32, #tpu.memory_space<vmem>>
    %dma_wait3A_581 = arith.constant 0 : i32
    %dma_wait3A_582 = tpu.memref_slice %arg2[%dma_wait3A_581] : memref<1048576xf32, #tpu.memory_space<hbm>> -> memref<1048576xf32, #tpu.memory_space<hbm>>
    tpu.wait_indirect_dma semaphore(%arg13 : memref<!tpu.dma_semaphore, #tpu.memory_space<semaphore_mem>>) src(%dma_wait3A_582 : memref<1048576xf32, #tpu.memory_space<hbm>>) dst(%dma_wait3A_577 : memref<128xf32, #tpu.memory_space<vmem>>)
    %dma_wait3A_583 = arith.constant 3 : i32
    %dma_wait3A_584 = arith.constant 384 : i32
    %dma_wait3A_585 = tpu.memref_slice %arg10[%dma_wait3A_584] : memref<512xf32, #tpu.memory_space<vmem>> -> memref<128xf32, #tpu.memory_space<vmem>>
    %dma_wait3A_586 = arith.constant 0 : i32
    %dma_wait3A_587 = tpu.memref_slice %arg9[%dma_wait3A_583, %dma_wait3A_586] : memref<4x128xi32, #tpu.memory_space<vmem>> -> memref<1x128xi32, #tpu.memory_space<vmem>>
    %dma_wait3A_588 = tpu.memref_squeeze %dma_wait3A_587 : memref<1x128xi32, #tpu.memory_space<vmem>> -> memref<128xi32, #tpu.memory_space<vmem>>
    %dma_wait3A_589 = arith.constant 0 : i32
    %dma_wait3A_590 = tpu.memref_slice %arg2[%dma_wait3A_589] : memref<1048576xf32, #tpu.memory_space<hbm>> -> memref<1048576xf32, #tpu.memory_space<hbm>>
    tpu.wait_indirect_dma semaphore(%arg13 : memref<!tpu.dma_semaphore, #tpu.memory_space<semaphore_mem>>) src(%dma_wait3A_590 : memref<1048576xf32, #tpu.memory_space<hbm>>) dst(%dma_wait3A_585 : memref<128xf32, #tpu.memory_space<vmem>>)
    %get3A_591 = arith.constant 0 : index
    %get3A_592 = tpu.vector_load %arg11[%get3A_591] {strides = array<i32>} : memref<16xf32, #tpu.memory_space<vmem>>, vector<16xf32>,
    %get3A_593 = vector.shape_cast %get3A_592 : vector<16xf32> to vector<16xf32>
    %get3A_594 = arith.constant 0 : index
    %get3A_595 = tpu.vector_load %arg10[%get3A_594] {strides = array<i32>} : memref<512xf32, #tpu.memory_space<vmem>>, vector<16xf32>,
    %get3A_596 = vector.shape_cast %get3A_595 : vector<16xf32> to vector<16xf32>
    %sub3A = arith.subf %get3A_596, %get3A_593 : vector<16xf32>
    %swap3A_597 = arith.constant 0 : index
    %swap3A_598 = tpu.vector_load %arg10[%swap3A_597] {strides = array<i32>} : memref<512xf32, #tpu.memory_space<vmem>>, vector<16xf32>,
    %swap3A_599 = vector.shape_cast %swap3A_598 : vector<16xf32> to vector<16xf32>
    %swap3A_600 = vector.shape_cast %sub3A : vector<16xf32> to vector<16xf32>
    tpu.vector_store %arg10[%swap3A_597], %swap3A_600 {strides = array<i32>} : memref<512xf32, #tpu.memory_space<vmem>>, vector<16xf32>,
    %get3A_601 = arith.constant 16 : index
    %get3A_602 = tpu.vector_load %arg10[%get3A_601] {strides = array<i32>} : memref<512xf32, #tpu.memory_space<vmem>>, vector<16xf32>,
    %get3A_603 = vector.shape_cast %get3A_602 : vector<16xf32> to vector<16xf32>
    %sub3A_604 = arith.subf %get3A_603, %get3A_593 : vector<16xf32>
    %swap3A_605 = arith.constant 16 : index
    %swap3A_606 = tpu.vector_load %arg10[%swap3A_605] {strides = array<i32>} : memref<512xf32, #tpu.memory_space<vmem>>, vector<16xf32>,
    %swap3A_607 = vector.shape_cast %swap3A_606 : vector<16xf32> to vector<16xf32>
    %swap3A_608 = vector.shape_cast %sub3A_604 : vector<16xf32> to vector<16xf32>
    tpu.vector_store %arg10[%swap3A_605], %swap3A_608 {strides = array<i32>} : memref<512xf32, #tpu.memory_space<vmem>>, vector<16xf32>,
    %get3A_609 = arith.constant 32 : index
    %get3A_610 = tpu.vector_load %arg10[%get3A_609] {strides = array<i32>} : memref<512xf32, #tpu.memory_space<vmem>>, vector<16xf32>,
    %get3A_611 = vector.shape_cast %get3A_610 : vector<16xf32> to vector<16xf32>
    %sub3A_612 = arith.subf %get3A_611, %get3A_593 : vector<16xf32>
    %swap3A_613 = arith.constant 32 : index
    %swap3A_614 = tpu.vector_load %arg10[%swap3A_613] {strides = array<i32>} : memref<512xf32, #tpu.memory_space<vmem>>, vector<16xf32>,
    %swap3A_615 = vector.shape_cast %swap3A_614 : vector<16xf32> to vector<16xf32>
    %swap3A_616 = vector.shape_cast %sub3A_612 : vector<16xf32> to vector<16xf32>
    tpu.vector_store %arg10[%swap3A_613], %swap3A_616 {strides = array<i32>} : memref<512xf32, #tpu.memory_space<vmem>>, vector<16xf32>,
    %get3A_617 = arith.constant 48 : index
    %get3A_618 = tpu.vector_load %arg10[%get3A_617] {strides = array<i32>} : memref<512xf32, #tpu.memory_space<vmem>>, vector<16xf32>,
    %get3A_619 = vector.shape_cast %get3A_618 : vector<16xf32> to vector<16xf32>
    %sub3A_620 = arith.subf %get3A_619, %get3A_593 : vector<16xf32>
    %swap3A_621 = arith.constant 48 : index
    %swap3A_622 = tpu.vector_load %arg10[%swap3A_621] {strides = array<i32>} : memref<512xf32, #tpu.memory_space<vmem>>, vector<16xf32>,
    %swap3A_623 = vector.shape_cast %swap3A_622 : vector<16xf32> to vector<16xf32>
    %swap3A_624 = vector.shape_cast %sub3A_620 : vector<16xf32> to vector<16xf32>
    tpu.vector_store %arg10[%swap3A_621], %swap3A_624 {strides = array<i32>} : memref<512xf32, #tpu.memory_space<vmem>>, vector<16xf32>,
    %get3A_625 = arith.constant 64 : index
    %get3A_626 = tpu.vector_load %arg10[%get3A_625] {strides = array<i32>} : memref<512xf32, #tpu.memory_space<vmem>>, vector<16xf32>,
    %get3A_627 = vector.shape_cast %get3A_626 : vector<16xf32> to vector<16xf32>
    %sub3A_628 = arith.subf %get3A_627, %get3A_593 : vector<16xf32>
    %swap3A_629 = arith.constant 64 : index
    %swap3A_630 = tpu.vector_load %arg10[%swap3A_629] {strides = array<i32>} : memref<512xf32, #tpu.memory_space<vmem>>, vector<16xf32>,
    %swap3A_631 = vector.shape_cast %swap3A_630 : vector<16xf32> to vector<16xf32>
    %swap3A_632 = vector.shape_cast %sub3A_628 : vector<16xf32> to vector<16xf32>
    tpu.vector_store %arg10[%swap3A_629], %swap3A_632 {strides = array<i32>} : memref<512xf32, #tpu.memory_space<vmem>>, vector<16xf32>,
    %get3A_633 = arith.constant 80 : index
    %get3A_634 = tpu.vector_load %arg10[%get3A_633] {strides = array<i32>} : memref<512xf32, #tpu.memory_space<vmem>>, vector<16xf32>,
    %get3A_635 = vector.shape_cast %get3A_634 : vector<16xf32> to vector<16xf32>
    %sub3A_636 = arith.subf %get3A_635, %get3A_593 : vector<16xf32>
    %swap3A_637 = arith.constant 80 : index
    %swap3A_638 = tpu.vector_load %arg10[%swap3A_637] {strides = array<i32>} : memref<512xf32, #tpu.memory_space<vmem>>, vector<16xf32>,
    %swap3A_639 = vector.shape_cast %swap3A_638 : vector<16xf32> to vector<16xf32>
    %swap3A_640 = vector.shape_cast %sub3A_636 : vector<16xf32> to vector<16xf32>
    tpu.vector_store %arg10[%swap3A_637], %swap3A_640 {strides = array<i32>} : memref<512xf32, #tpu.memory_space<vmem>>, vector<16xf32>,
    %get3A_641 = arith.constant 96 : index
    %get3A_642 = tpu.vector_load %arg10[%get3A_641] {strides = array<i32>} : memref<512xf32, #tpu.memory_space<vmem>>, vector<16xf32>,
    %get3A_643 = vector.shape_cast %get3A_642 : vector<16xf32> to vector<16xf32>
    %sub3A_644 = arith.subf %get3A_643, %get3A_593 : vector<16xf32>
    %swap3A_645 = arith.constant 96 : index
    %swap3A_646 = tpu.vector_load %arg10[%swap3A_645] {strides = array<i32>} : memref<512xf32, #tpu.memory_space<vmem>>, vector<16xf32>,
    %swap3A_647 = vector.shape_cast %swap3A_646 : vector<16xf32> to vector<16xf32>
    %swap3A_648 = vector.shape_cast %sub3A_644 : vector<16xf32> to vector<16xf32>
    tpu.vector_store %arg10[%swap3A_645], %swap3A_648 {strides = array<i32>} : memref<512xf32, #tpu.memory_space<vmem>>, vector<16xf32>,
    %get3A_649 = arith.constant 112 : index
    %get3A_650 = tpu.vector_load %arg10[%get3A_649] {strides = array<i32>} : memref<512xf32, #tpu.memory_space<vmem>>, vector<16xf32>,
    %get3A_651 = vector.shape_cast %get3A_650 : vector<16xf32> to vector<16xf32>
    %sub3A_652 = arith.subf %get3A_651, %get3A_593 : vector<16xf32>
    %swap3A_653 = arith.constant 112 : index
    %swap3A_654 = tpu.vector_load %arg10[%swap3A_653] {strides = array<i32>} : memref<512xf32, #tpu.memory_space<vmem>>, vector<16xf32>,
    %swap3A_655 = vector.shape_cast %swap3A_654 : vector<16xf32> to vector<16xf32>
    %swap3A_656 = vector.shape_cast %sub3A_652 : vector<16xf32> to vector<16xf32>
    tpu.vector_store %arg10[%swap3A_653], %swap3A_656 {strides = array<i32>} : memref<512xf32, #tpu.memory_space<vmem>>, vector<16xf32>,
    %get3A_657 = arith.constant 128 : index
    %get3A_658 = tpu.vector_load %arg10[%get3A_657] {strides = array<i32>} : memref<512xf32, #tpu.memory_space<vmem>>, vector<16xf32>,
    %get3A_659 = vector.shape_cast %get3A_658 : vector<16xf32> to vector<16xf32>
    %sub3A_660 = arith.subf %get3A_659, %get3A_593 : vector<16xf32>
    %swap3A_661 = arith.constant 128 : index
    %swap3A_662 = tpu.vector_load %arg10[%swap3A_661] {strides = array<i32>} : memref<512xf32, #tpu.memory_space<vmem>>, vector<16xf32>,
    %swap3A_663 = vector.shape_cast %swap3A_662 : vector<16xf32> to vector<16xf32>
    %swap3A_664 = vector.shape_cast %sub3A_660 : vector<16xf32> to vector<16xf32>
    tpu.vector_store %arg10[%swap3A_661], %swap3A_664 {strides = array<i32>} : memref<512xf32, #tpu.memory_space<vmem>>, vector<16xf32>,
    %get3A_665 = arith.constant 144 : index
    %get3A_666 = tpu.vector_load %arg10[%get3A_665] {strides = array<i32>} : memref<512xf32, #tpu.memory_space<vmem>>, vector<16xf32>,
    %get3A_667 = vector.shape_cast %get3A_666 : vector<16xf32> to vector<16xf32>
    %sub3A_668 = arith.subf %get3A_667, %get3A_593 : vector<16xf32>
    %swap3A_669 = arith.constant 144 : index
    %swap3A_670 = tpu.vector_load %arg10[%swap3A_669] {strides = array<i32>} : memref<512xf32, #tpu.memory_space<vmem>>, vector<16xf32>,
    %swap3A_671 = vector.shape_cast %swap3A_670 : vector<16xf32> to vector<16xf32>
    %swap3A_672 = vector.shape_cast %sub3A_668 : vector<16xf32> to vector<16xf32>
    tpu.vector_store %arg10[%swap3A_669], %swap3A_672 {strides = array<i32>} : memref<512xf32, #tpu.memory_space<vmem>>, vector<16xf32>,
    %get3A_673 = arith.constant 160 : index
    %get3A_674 = tpu.vector_load %arg10[%get3A_673] {strides = array<i32>} : memref<512xf32, #tpu.memory_space<vmem>>, vector<16xf32>,
    %get3A_675 = vector.shape_cast %get3A_674 : vector<16xf32> to vector<16xf32>
    %sub3A_676 = arith.subf %get3A_675, %get3A_593 : vector<16xf32>
    %swap3A_677 = arith.constant 160 : index
    %swap3A_678 = tpu.vector_load %arg10[%swap3A_677] {strides = array<i32>} : memref<512xf32, #tpu.memory_space<vmem>>, vector<16xf32>,
    %swap3A_679 = vector.shape_cast %swap3A_678 : vector<16xf32> to vector<16xf32>
    %swap3A_680 = vector.shape_cast %sub3A_676 : vector<16xf32> to vector<16xf32>
    tpu.vector_store %arg10[%swap3A_677], %swap3A_680 {strides = array<i32>} : memref<512xf32, #tpu.memory_space<vmem>>, vector<16xf32>,
    %get3A_681 = arith.constant 176 : index
    %get3A_682 = tpu.vector_load %arg10[%get3A_681] {strides = array<i32>} : memref<512xf32, #tpu.memory_space<vmem>>, vector<16xf32>,
    %get3A_683 = vector.shape_cast %get3A_682 : vector<16xf32> to vector<16xf32>
    %sub3A_684 = arith.subf %get3A_683, %get3A_593 : vector<16xf32>
    %swap3A_685 = arith.constant 176 : index
    %swap3A_686 = tpu.vector_load %arg10[%swap3A_685] {strides = array<i32>} : memref<512xf32, #tpu.memory_space<vmem>>, vector<16xf32>,
    %swap3A_687 = vector.shape_cast %swap3A_686 : vector<16xf32> to vector<16xf32>
    %swap3A_688 = vector.shape_cast %sub3A_684 : vector<16xf32> to vector<16xf32>
    tpu.vector_store %arg10[%swap3A_685], %swap3A_688 {strides = array<i32>} : memref<512xf32, #tpu.memory_space<vmem>>, vector<16xf32>,
    %get3A_689 = arith.constant 192 : index
    %get3A_690 = tpu.vector_load %arg10[%get3A_689] {strides = array<i32>} : memref<512xf32, #tpu.memory_space<vmem>>, vector<16xf32>,
    %get3A_691 = vector.shape_cast %get3A_690 : vector<16xf32> to vector<16xf32>
    %sub3A_692 = arith.subf %get3A_691, %get3A_593 : vector<16xf32>
    %swap3A_693 = arith.constant 192 : index
    %swap3A_694 = tpu.vector_load %arg10[%swap3A_693] {strides = array<i32>} : memref<512xf32, #tpu.memory_space<vmem>>, vector<16xf32>,
    %swap3A_695 = vector.shape_cast %swap3A_694 : vector<16xf32> to vector<16xf32>
    %swap3A_696 = vector.shape_cast %sub3A_692 : vector<16xf32> to vector<16xf32>
    tpu.vector_store %arg10[%swap3A_693], %swap3A_696 {strides = array<i32>} : memref<512xf32, #tpu.memory_space<vmem>>, vector<16xf32>,
    %get3A_697 = arith.constant 208 : index
    %get3A_698 = tpu.vector_load %arg10[%get3A_697] {strides = array<i32>} : memref<512xf32, #tpu.memory_space<vmem>>, vector<16xf32>,
    %get3A_699 = vector.shape_cast %get3A_698 : vector<16xf32> to vector<16xf32>
    %sub3A_700 = arith.subf %get3A_699, %get3A_593 : vector<16xf32>
    %swap3A_701 = arith.constant 208 : index
    %swap3A_702 = tpu.vector_load %arg10[%swap3A_701] {strides = array<i32>} : memref<512xf32, #tpu.memory_space<vmem>>, vector<16xf32>,
    %swap3A_703 = vector.shape_cast %swap3A_702 : vector<16xf32> to vector<16xf32>
    %swap3A_704 = vector.shape_cast %sub3A_700 : vector<16xf32> to vector<16xf32>
    tpu.vector_store %arg10[%swap3A_701], %swap3A_704 {strides = array<i32>} : memref<512xf32, #tpu.memory_space<vmem>>, vector<16xf32>,
    %get3A_705 = arith.constant 224 : index
    %get3A_706 = tpu.vector_load %arg10[%get3A_705] {strides = array<i32>} : memref<512xf32, #tpu.memory_space<vmem>>, vector<16xf32>,
    %get3A_707 = vector.shape_cast %get3A_706 : vector<16xf32> to vector<16xf32>
    %sub3A_708 = arith.subf %get3A_707, %get3A_593 : vector<16xf32>
    %swap3A_709 = arith.constant 224 : index
    %swap3A_710 = tpu.vector_load %arg10[%swap3A_709] {strides = array<i32>} : memref<512xf32, #tpu.memory_space<vmem>>, vector<16xf32>,
    %swap3A_711 = vector.shape_cast %swap3A_710 : vector<16xf32> to vector<16xf32>
    %swap3A_712 = vector.shape_cast %sub3A_708 : vector<16xf32> to vector<16xf32>
    tpu.vector_store %arg10[%swap3A_709], %swap3A_712 {strides = array<i32>} : memref<512xf32, #tpu.memory_space<vmem>>, vector<16xf32>,
    %get3A_713 = arith.constant 240 : index
    %get3A_714 = tpu.vector_load %arg10[%get3A_713] {strides = array<i32>} : memref<512xf32, #tpu.memory_space<vmem>>, vector<16xf32>,
    %get3A_715 = vector.shape_cast %get3A_714 : vector<16xf32> to vector<16xf32>
    %sub3A_716 = arith.subf %get3A_715, %get3A_593 : vector<16xf32>
    %swap3A_717 = arith.constant 240 : index
    %swap3A_718 = tpu.vector_load %arg10[%swap3A_717] {strides = array<i32>} : memref<512xf32, #tpu.memory_space<vmem>>, vector<16xf32>,
    %swap3A_719 = vector.shape_cast %swap3A_718 : vector<16xf32> to vector<16xf32>
    %swap3A_720 = vector.shape_cast %sub3A_716 : vector<16xf32> to vector<16xf32>
    tpu.vector_store %arg10[%swap3A_717], %swap3A_720 {strides = array<i32>} : memref<512xf32, #tpu.memory_space<vmem>>, vector<16xf32>,
    %get3A_721 = arith.constant 256 : index
    %get3A_722 = tpu.vector_load %arg10[%get3A_721] {strides = array<i32>} : memref<512xf32, #tpu.memory_space<vmem>>, vector<16xf32>,
    %get3A_723 = vector.shape_cast %get3A_722 : vector<16xf32> to vector<16xf32>
    %sub3A_724 = arith.subf %get3A_723, %get3A_593 : vector<16xf32>
    %swap3A_725 = arith.constant 256 : index
    %swap3A_726 = tpu.vector_load %arg10[%swap3A_725] {strides = array<i32>} : memref<512xf32, #tpu.memory_space<vmem>>, vector<16xf32>,
    %swap3A_727 = vector.shape_cast %swap3A_726 : vector<16xf32> to vector<16xf32>
    %swap3A_728 = vector.shape_cast %sub3A_724 : vector<16xf32> to vector<16xf32>
    tpu.vector_store %arg10[%swap3A_725], %swap3A_728 {strides = array<i32>} : memref<512xf32, #tpu.memory_space<vmem>>, vector<16xf32>,
    %get3A_729 = arith.constant 272 : index
    %get3A_730 = tpu.vector_load %arg10[%get3A_729] {strides = array<i32>} : memref<512xf32, #tpu.memory_space<vmem>>, vector<16xf32>,
    %get3A_731 = vector.shape_cast %get3A_730 : vector<16xf32> to vector<16xf32>
    %sub3A_732 = arith.subf %get3A_731, %get3A_593 : vector<16xf32>
    %swap3A_733 = arith.constant 272 : index
    %swap3A_734 = tpu.vector_load %arg10[%swap3A_733] {strides = array<i32>} : memref<512xf32, #tpu.memory_space<vmem>>, vector<16xf32>,
    %swap3A_735 = vector.shape_cast %swap3A_734 : vector<16xf32> to vector<16xf32>
    %swap3A_736 = vector.shape_cast %sub3A_732 : vector<16xf32> to vector<16xf32>
    tpu.vector_store %arg10[%swap3A_733], %swap3A_736 {strides = array<i32>} : memref<512xf32, #tpu.memory_space<vmem>>, vector<16xf32>,
    %get3A_737 = arith.constant 288 : index
    %get3A_738 = tpu.vector_load %arg10[%get3A_737] {strides = array<i32>} : memref<512xf32, #tpu.memory_space<vmem>>, vector<16xf32>,
    %get3A_739 = vector.shape_cast %get3A_738 : vector<16xf32> to vector<16xf32>
    %sub3A_740 = arith.subf %get3A_739, %get3A_593 : vector<16xf32>
    %swap3A_741 = arith.constant 288 : index
    %swap3A_742 = tpu.vector_load %arg10[%swap3A_741] {strides = array<i32>} : memref<512xf32, #tpu.memory_space<vmem>>, vector<16xf32>,
    %swap3A_743 = vector.shape_cast %swap3A_742 : vector<16xf32> to vector<16xf32>
    %swap3A_744 = vector.shape_cast %sub3A_740 : vector<16xf32> to vector<16xf32>
    tpu.vector_store %arg10[%swap3A_741], %swap3A_744 {strides = array<i32>} : memref<512xf32, #tpu.memory_space<vmem>>, vector<16xf32>,
    %get3A_745 = arith.constant 304 : index
    %get3A_746 = tpu.vector_load %arg10[%get3A_745] {strides = array<i32>} : memref<512xf32, #tpu.memory_space<vmem>>, vector<16xf32>,
    %get3A_747 = vector.shape_cast %get3A_746 : vector<16xf32> to vector<16xf32>
    %sub3A_748 = arith.subf %get3A_747, %get3A_593 : vector<16xf32>
    %swap3A_749 = arith.constant 304 : index
    %swap3A_750 = tpu.vector_load %arg10[%swap3A_749] {strides = array<i32>} : memref<512xf32, #tpu.memory_space<vmem>>, vector<16xf32>,
    %swap3A_751 = vector.shape_cast %swap3A_750 : vector<16xf32> to vector<16xf32>
    %swap3A_752 = vector.shape_cast %sub3A_748 : vector<16xf32> to vector<16xf32>
    tpu.vector_store %arg10[%swap3A_749], %swap3A_752 {strides = array<i32>} : memref<512xf32, #tpu.memory_space<vmem>>, vector<16xf32>,
    %get3A_753 = arith.constant 320 : index
    %get3A_754 = tpu.vector_load %arg10[%get3A_753] {strides = array<i32>} : memref<512xf32, #tpu.memory_space<vmem>>, vector<16xf32>,
    %get3A_755 = vector.shape_cast %get3A_754 : vector<16xf32> to vector<16xf32>
    %sub3A_756 = arith.subf %get3A_755, %get3A_593 : vector<16xf32>
    %swap3A_757 = arith.constant 320 : index
    %swap3A_758 = tpu.vector_load %arg10[%swap3A_757] {strides = array<i32>} : memref<512xf32, #tpu.memory_space<vmem>>, vector<16xf32>,
    %swap3A_759 = vector.shape_cast %swap3A_758 : vector<16xf32> to vector<16xf32>
    %swap3A_760 = vector.shape_cast %sub3A_756 : vector<16xf32> to vector<16xf32>
    tpu.vector_store %arg10[%swap3A_757], %swap3A_760 {strides = array<i32>} : memref<512xf32, #tpu.memory_space<vmem>>, vector<16xf32>,
    %get3A_761 = arith.constant 336 : index
    %get3A_762 = tpu.vector_load %arg10[%get3A_761] {strides = array<i32>} : memref<512xf32, #tpu.memory_space<vmem>>, vector<16xf32>,
    %get3A_763 = vector.shape_cast %get3A_762 : vector<16xf32> to vector<16xf32>
    %sub3A_764 = arith.subf %get3A_763, %get3A_593 : vector<16xf32>
    %swap3A_765 = arith.constant 336 : index
    %swap3A_766 = tpu.vector_load %arg10[%swap3A_765] {strides = array<i32>} : memref<512xf32, #tpu.memory_space<vmem>>, vector<16xf32>,
    %swap3A_767 = vector.shape_cast %swap3A_766 : vector<16xf32> to vector<16xf32>
    %swap3A_768 = vector.shape_cast %sub3A_764 : vector<16xf32> to vector<16xf32>
    tpu.vector_store %arg10[%swap3A_765], %swap3A_768 {strides = array<i32>} : memref<512xf32, #tpu.memory_space<vmem>>, vector<16xf32>,
    %get3A_769 = arith.constant 352 : index
    %get3A_770 = tpu.vector_load %arg10[%get3A_769] {strides = array<i32>} : memref<512xf32, #tpu.memory_space<vmem>>, vector<16xf32>,
    %get3A_771 = vector.shape_cast %get3A_770 : vector<16xf32> to vector<16xf32>
    %sub3A_772 = arith.subf %get3A_771, %get3A_593 : vector<16xf32>
    %swap3A_773 = arith.constant 352 : index
    %swap3A_774 = tpu.vector_load %arg10[%swap3A_773] {strides = array<i32>} : memref<512xf32, #tpu.memory_space<vmem>>, vector<16xf32>,
    %swap3A_775 = vector.shape_cast %swap3A_774 : vector<16xf32> to vector<16xf32>
    %swap3A_776 = vector.shape_cast %sub3A_772 : vector<16xf32> to vector<16xf32>
    tpu.vector_store %arg10[%swap3A_773], %swap3A_776 {strides = array<i32>} : memref<512xf32, #tpu.memory_space<vmem>>, vector<16xf32>,
    %get3A_777 = arith.constant 368 : index
    %get3A_778 = tpu.vector_load %arg10[%get3A_777] {strides = array<i32>} : memref<512xf32, #tpu.memory_space<vmem>>, vector<16xf32>,
    %get3A_779 = vector.shape_cast %get3A_778 : vector<16xf32> to vector<16xf32>
    %sub3A_780 = arith.subf %get3A_779, %get3A_593 : vector<16xf32>
    %swap3A_781 = arith.constant 368 : index
    %swap3A_782 = tpu.vector_load %arg10[%swap3A_781] {strides = array<i32>} : memref<512xf32, #tpu.memory_space<vmem>>, vector<16xf32>,
    %swap3A_783 = vector.shape_cast %swap3A_782 : vector<16xf32> to vector<16xf32>
    %swap3A_784 = vector.shape_cast %sub3A_780 : vector<16xf32> to vector<16xf32>
    tpu.vector_store %arg10[%swap3A_781], %swap3A_784 {strides = array<i32>} : memref<512xf32, #tpu.memory_space<vmem>>, vector<16xf32>,
    %get3A_785 = arith.constant 384 : index
    %get3A_786 = tpu.vector_load %arg10[%get3A_785] {strides = array<i32>} : memref<512xf32, #tpu.memory_space<vmem>>, vector<16xf32>,
    %get3A_787 = vector.shape_cast %get3A_786 : vector<16xf32> to vector<16xf32>
    %sub3A_788 = arith.subf %get3A_787, %get3A_593 : vector<16xf32>
    %swap3A_789 = arith.constant 384 : index
    %swap3A_790 = tpu.vector_load %arg10[%swap3A_789] {strides = array<i32>} : memref<512xf32, #tpu.memory_space<vmem>>, vector<16xf32>,
    %swap3A_791 = vector.shape_cast %swap3A_790 : vector<16xf32> to vector<16xf32>
    %swap3A_792 = vector.shape_cast %sub3A_788 : vector<16xf32> to vector<16xf32>
    tpu.vector_store %arg10[%swap3A_789], %swap3A_792 {strides = array<i32>} : memref<512xf32, #tpu.memory_space<vmem>>, vector<16xf32>,
    %get3A_793 = arith.constant 400 : index
    %get3A_794 = tpu.vector_load %arg10[%get3A_793] {strides = array<i32>} : memref<512xf32, #tpu.memory_space<vmem>>, vector<16xf32>,
    %get3A_795 = vector.shape_cast %get3A_794 : vector<16xf32> to vector<16xf32>
    %sub3A_796 = arith.subf %get3A_795, %get3A_593 : vector<16xf32>
    %swap3A_797 = arith.constant 400 : index
    %swap3A_798 = tpu.vector_load %arg10[%swap3A_797] {strides = array<i32>} : memref<512xf32, #tpu.memory_space<vmem>>, vector<16xf32>,
    %swap3A_799 = vector.shape_cast %swap3A_798 : vector<16xf32> to vector<16xf32>
    %swap3A_800 = vector.shape_cast %sub3A_796 : vector<16xf32> to vector<16xf32>
    tpu.vector_store %arg10[%swap3A_797], %swap3A_800 {strides = array<i32>} : memref<512xf32, #tpu.memory_space<vmem>>, vector<16xf32>,
    %get3A_801 = arith.constant 416 : index
    %get3A_802 = tpu.vector_load %arg10[%get3A_801] {strides = array<i32>} : memref<512xf32, #tpu.memory_space<vmem>>, vector<16xf32>,
    %get3A_803 = vector.shape_cast %get3A_802 : vector<16xf32> to vector<16xf32>
    %sub3A_804 = arith.subf %get3A_803, %get3A_593 : vector<16xf32>
    %swap3A_805 = arith.constant 416 : index
    %swap3A_806 = tpu.vector_load %arg10[%swap3A_805] {strides = array<i32>} : memref<512xf32, #tpu.memory_space<vmem>>, vector<16xf32>,
    %swap3A_807 = vector.shape_cast %swap3A_806 : vector<16xf32> to vector<16xf32>
    %swap3A_808 = vector.shape_cast %sub3A_804 : vector<16xf32> to vector<16xf32>
    tpu.vector_store %arg10[%swap3A_805], %swap3A_808 {strides = array<i32>} : memref<512xf32, #tpu.memory_space<vmem>>, vector<16xf32>,
    %get3A_809 = arith.constant 432 : index
    %get3A_810 = tpu.vector_load %arg10[%get3A_809] {strides = array<i32>} : memref<512xf32, #tpu.memory_space<vmem>>, vector<16xf32>,
    %get3A_811 = vector.shape_cast %get3A_810 : vector<16xf32> to vector<16xf32>
    %sub3A_812 = arith.subf %get3A_811, %get3A_593 : vector<16xf32>
    %swap3A_813 = arith.constant 432 : index
    %swap3A_814 = tpu.vector_load %arg10[%swap3A_813] {strides = array<i32>} : memref<512xf32, #tpu.memory_space<vmem>>, vector<16xf32>,
    %swap3A_815 = vector.shape_cast %swap3A_814 : vector<16xf32> to vector<16xf32>
    %swap3A_816 = vector.shape_cast %sub3A_812 : vector<16xf32> to vector<16xf32>
    tpu.vector_store %arg10[%swap3A_813], %swap3A_816 {strides = array<i32>} : memref<512xf32, #tpu.memory_space<vmem>>, vector<16xf32>,
    %get3A_817 = arith.constant 448 : index
    %get3A_818 = tpu.vector_load %arg10[%get3A_817] {strides = array<i32>} : memref<512xf32, #tpu.memory_space<vmem>>, vector<16xf32>,
    %get3A_819 = vector.shape_cast %get3A_818 : vector<16xf32> to vector<16xf32>
    %sub3A_820 = arith.subf %get3A_819, %get3A_593 : vector<16xf32>
    %swap3A_821 = arith.constant 448 : index
    %swap3A_822 = tpu.vector_load %arg10[%swap3A_821] {strides = array<i32>} : memref<512xf32, #tpu.memory_space<vmem>>, vector<16xf32>,
    %swap3A_823 = vector.shape_cast %swap3A_822 : vector<16xf32> to vector<16xf32>
    %swap3A_824 = vector.shape_cast %sub3A_820 : vector<16xf32> to vector<16xf32>
    tpu.vector_store %arg10[%swap3A_821], %swap3A_824 {strides = array<i32>} : memref<512xf32, #tpu.memory_space<vmem>>, vector<16xf32>,
    %get3A_825 = arith.constant 464 : index
    %get3A_826 = tpu.vector_load %arg10[%get3A_825] {strides = array<i32>} : memref<512xf32, #tpu.memory_space<vmem>>, vector<16xf32>,
    %get3A_827 = vector.shape_cast %get3A_826 : vector<16xf32> to vector<16xf32>
    %sub3A_828 = arith.subf %get3A_827, %get3A_593 : vector<16xf32>
    %swap3A_829 = arith.constant 464 : index
    %swap3A_830 = tpu.vector_load %arg10[%swap3A_829] {strides = array<i32>} : memref<512xf32, #tpu.memory_space<vmem>>, vector<16xf32>,
    %swap3A_831 = vector.shape_cast %swap3A_830 : vector<16xf32> to vector<16xf32>
    %swap3A_832 = vector.shape_cast %sub3A_828 : vector<16xf32> to vector<16xf32>
    tpu.vector_store %arg10[%swap3A_829], %swap3A_832 {strides = array<i32>} : memref<512xf32, #tpu.memory_space<vmem>>, vector<16xf32>,
    %get3A_833 = arith.constant 480 : index
    %get3A_834 = tpu.vector_load %arg10[%get3A_833] {strides = array<i32>} : memref<512xf32, #tpu.memory_space<vmem>>, vector<16xf32>,
    %get3A_835 = vector.shape_cast %get3A_834 : vector<16xf32> to vector<16xf32>
    %sub3A_836 = arith.subf %get3A_835, %get3A_593 : vector<16xf32>
    %swap3A_837 = arith.constant 480 : index
    %swap3A_838 = tpu.vector_load %arg10[%swap3A_837] {strides = array<i32>} : memref<512xf32, #tpu.memory_space<vmem>>, vector<16xf32>,
    %swap3A_839 = vector.shape_cast %swap3A_838 : vector<16xf32> to vector<16xf32>
    %swap3A_840 = vector.shape_cast %sub3A_836 : vector<16xf32> to vector<16xf32>
    tpu.vector_store %arg10[%swap3A_837], %swap3A_840 {strides = array<i32>} : memref<512xf32, #tpu.memory_space<vmem>>, vector<16xf32>,
    %get3A_841 = arith.constant 496 : index
    %get3A_842 = tpu.vector_load %arg10[%get3A_841] {strides = array<i32>} : memref<512xf32, #tpu.memory_space<vmem>>, vector<16xf32>,
    %get3A_843 = vector.shape_cast %get3A_842 : vector<16xf32> to vector<16xf32>
    %sub3A_844 = arith.subf %get3A_843, %get3A_593 : vector<16xf32>
    %swap3A_845 = arith.constant 496 : index
    %swap3A_846 = tpu.vector_load %arg10[%swap3A_845] {strides = array<i32>} : memref<512xf32, #tpu.memory_space<vmem>>, vector<16xf32>,
    %swap3A_847 = vector.shape_cast %swap3A_846 : vector<16xf32> to vector<16xf32>
    %swap3A_848 = vector.shape_cast %sub3A_844 : vector<16xf32> to vector<16xf32>
    tpu.vector_store %arg10[%swap3A_845], %swap3A_848 {strides = array<i32>} : memref<512xf32, #tpu.memory_space<vmem>>, vector<16xf32>,
    "tpu.region"() ({
      %run_scoped3A = tpu.sem_alloc : memref<!tpu.dma_semaphore, #tpu.memory_space<semaphore_mem>>
      %dma_start3A_849 = tpu.memref_slice %arg6[%mul3A_2] : memref<16384xf32, #tpu.memory_space<hbm>> -> memref<512xf32, #tpu.memory_space<hbm>>
      %dma_start3A_850 = tpu.memref_slice %arg6[%mul3A_2] : memref<16384xf32, #tpu.memory_space<hbm>> -> memref<512xf32, #tpu.memory_space<hbm>>
      tpu.enqueue_dma source(%arg10 : memref<512xf32, #tpu.memory_space<vmem>>) target(%dma_start3A_850 : memref<512xf32, #tpu.memory_space<hbm>>) target_semaphore(%run_scoped3A : memref<!tpu.dma_semaphore, #tpu.memory_space<semaphore_mem>>)
      %dma_wait3A_851 = tpu.memref_slice %arg6[%mul3A_2] : memref<16384xf32, #tpu.memory_space<hbm>> -> memref<512xf32, #tpu.memory_space<hbm>>
      %dma_wait3A_852 = tpu.memref_slice %arg6[%mul3A_2] : memref<16384xf32, #tpu.memory_space<hbm>> -> memref<512xf32, #tpu.memory_space<hbm>>
      tpu.wait_dma2 semaphore(%run_scoped3A : memref<!tpu.dma_semaphore, #tpu.memory_space<semaphore_mem>>) src(%arg10 : memref<512xf32, #tpu.memory_space<vmem>>) dst(%dma_wait3A_852 : memref<512xf32, #tpu.memory_space<hbm>>)
      tpu.yield
    }) : () -> ()
    return
  }
}

module attributes {stable_mosaic.version = 14 : i64} {
  func.func @_prep_body(%arg0: memref<1024x1024xf32, #tpu.memory_space<any>>, %arg1: memref<1024x8x128xf32, #tpu.memory_space<any>>, %arg2: memref<8x128xf32, #tpu.memory_space<vmem>>, %arg3: memref<256x1024xf32, #tpu.memory_space<vmem>>, %arg4: memref<256x1024xf32, #tpu.memory_space<vmem>>, %arg5: memref<256x1024xf32, #tpu.memory_space<vmem>>, %arg6: memref<256x1024xf32, #tpu.memory_space<vmem>>, %arg7: memref<!tpu.dma_semaphore, #tpu.memory_space<semaphore_mem>>, %arg8: memref<!tpu.dma_semaphore, #tpu.memory_space<semaphore_mem>>, %arg9: memref<!tpu.dma_semaphore, #tpu.memory_space<semaphore_mem>>, %arg10: memref<!tpu.dma_semaphore, #tpu.memory_space<semaphore_mem>>, %arg11: memref<!tpu.dma_semaphore, #tpu.memory_space<semaphore_mem>>) attributes {dimension_semantics = [], scalar_prefetch = 0 : i64, scratch_operands = 9 : i64, tpu.core_type = #tpu.core_type<tc>} {
    %dma_start3A = arith.constant 0 : i32
    %dma_start3A_0 = arith.constant 0 : i32
    %dma_start3A_1 = tpu.memref_slice %arg0[%dma_start3A, %dma_start3A_0] : memref<1024x1024xf32, #tpu.memory_space<any>> -> memref<256x1024xf32, #tpu.memory_space<any>>
    tpu.enqueue_dma source(%dma_start3A_1 : memref<256x1024xf32, #tpu.memory_space<any>>) target(%arg3 : memref<256x1024xf32, #tpu.memory_space<vmem>>) target_semaphore(%arg7 : memref<!tpu.dma_semaphore, #tpu.memory_space<semaphore_mem>>)
    %dma_start3A_2 = arith.constant 256 : i32
    %dma_start3A_3 = arith.constant 0 : i32
    %dma_start3A_4 = tpu.memref_slice %arg0[%dma_start3A_2, %dma_start3A_3] : memref<1024x1024xf32, #tpu.memory_space<any>> -> memref<256x1024xf32, #tpu.memory_space<any>>
    tpu.enqueue_dma source(%dma_start3A_4 : memref<256x1024xf32, #tpu.memory_space<any>>) target(%arg4 : memref<256x1024xf32, #tpu.memory_space<vmem>>) target_semaphore(%arg7 : memref<!tpu.dma_semaphore, #tpu.memory_space<semaphore_mem>>)
    %dma_start3A_5 = arith.constant 512 : i32
    %dma_start3A_6 = arith.constant 0 : i32
    %dma_start3A_7 = tpu.memref_slice %arg0[%dma_start3A_5, %dma_start3A_6] : memref<1024x1024xf32, #tpu.memory_space<any>> -> memref<256x1024xf32, #tpu.memory_space<any>>
    tpu.enqueue_dma source(%dma_start3A_7 : memref<256x1024xf32, #tpu.memory_space<any>>) target(%arg5 : memref<256x1024xf32, #tpu.memory_space<vmem>>) target_semaphore(%arg7 : memref<!tpu.dma_semaphore, #tpu.memory_space<semaphore_mem>>)
    %dma_start3A_8 = arith.constant 768 : i32
    %dma_start3A_9 = arith.constant 0 : i32
    %dma_start3A_10 = tpu.memref_slice %arg0[%dma_start3A_8, %dma_start3A_9] : memref<1024x1024xf32, #tpu.memory_space<any>> -> memref<256x1024xf32, #tpu.memory_space<any>>
    tpu.enqueue_dma source(%dma_start3A_10 : memref<256x1024xf32, #tpu.memory_space<any>>) target(%arg6 : memref<256x1024xf32, #tpu.memory_space<vmem>>) target_semaphore(%arg7 : memref<!tpu.dma_semaphore, #tpu.memory_space<semaphore_mem>>)
    %dma_wait3A = arith.constant 0 : i32
    %dma_wait3A_11 = arith.constant 0 : i32
    %dma_wait3A_12 = tpu.memref_slice %arg0[%dma_wait3A, %dma_wait3A_11] : memref<1024x1024xf32, #tpu.memory_space<any>> -> memref<256x1024xf32, #tpu.memory_space<any>>
    tpu.wait_dma2 semaphore(%arg7 : memref<!tpu.dma_semaphore, #tpu.memory_space<semaphore_mem>>) src(%dma_wait3A_12 : memref<256x1024xf32, #tpu.memory_space<any>>) dst(%arg3 : memref<256x1024xf32, #tpu.memory_space<vmem>>)
    %dma_start3A_13 = arith.constant 0 : i32
    %dma_start3A_14 = arith.constant 0 : i32
    %dma_start3A_15 = arith.constant 0 : i32
    %dma_start3A_16 = tpu.memref_slice %arg1[%dma_start3A_14, %dma_start3A_13, %dma_start3A_15] : memref<1024x8x128xf32, #tpu.memory_space<any>> -> memref<256x1x128xf32, #tpu.memory_space<any>>
    %dma_start3A_17 = tpu.memref_squeeze %dma_start3A_16 : memref<256x1x128xf32, #tpu.memory_space<any>> -> memref<256x128xf32, #tpu.memory_space<any>>
    %dma_start3A_18 = arith.constant 0 : i32
    %dma_start3A_19 = arith.constant 0 : i32
    %dma_start3A_20 = tpu.memref_slice %arg3[%dma_start3A_18, %dma_start3A_19] : memref<256x1024xf32, #tpu.memory_space<vmem>> -> memref<256x128xf32, #tpu.memory_space<vmem>>
    tpu.enqueue_dma source(%dma_start3A_20 : memref<256x128xf32, #tpu.memory_space<vmem>>) target(%dma_start3A_17 : memref<256x128xf32, #tpu.memory_space<any>>) target_semaphore(%arg8 : memref<!tpu.dma_semaphore, #tpu.memory_space<semaphore_mem>>)
    %dma_start3A_21 = arith.constant 1 : i32
    %dma_start3A_22 = arith.constant 0 : i32
    %dma_start3A_23 = arith.constant 0 : i32
    %dma_start3A_24 = tpu.memref_slice %arg1[%dma_start3A_22, %dma_start3A_21, %dma_start3A_23] : memref<1024x8x128xf32, #tpu.memory_space<any>> -> memref<256x1x128xf32, #tpu.memory_space<any>>
    %dma_start3A_25 = tpu.memref_squeeze %dma_start3A_24 : memref<256x1x128xf32, #tpu.memory_space<any>> -> memref<256x128xf32, #tpu.memory_space<any>>
    %dma_start3A_26 = arith.constant 0 : i32
    %dma_start3A_27 = arith.constant 128 : i32
    %dma_start3A_28 = tpu.memref_slice %arg3[%dma_start3A_26, %dma_start3A_27] : memref<256x1024xf32, #tpu.memory_space<vmem>> -> memref<256x128xf32, #tpu.memory_space<vmem>>
    tpu.enqueue_dma source(%dma_start3A_28 : memref<256x128xf32, #tpu.memory_space<vmem>>) target(%dma_start3A_25 : memref<256x128xf32, #tpu.memory_space<any>>) target_semaphore(%arg8 : memref<!tpu.dma_semaphore, #tpu.memory_space<semaphore_mem>>)
    %dma_start3A_29 = arith.constant 2 : i32
    %dma_start3A_30 = arith.constant 0 : i32
    %dma_start3A_31 = arith.constant 0 : i32
    %dma_start3A_32 = tpu.memref_slice %arg1[%dma_start3A_30, %dma_start3A_29, %dma_start3A_31] : memref<1024x8x128xf32, #tpu.memory_space<any>> -> memref<256x1x128xf32, #tpu.memory_space<any>>
    %dma_start3A_33 = tpu.memref_squeeze %dma_start3A_32 : memref<256x1x128xf32, #tpu.memory_space<any>> -> memref<256x128xf32, #tpu.memory_space<any>>
    %dma_start3A_34 = arith.constant 0 : i32
    %dma_start3A_35 = arith.constant 256 : i32
    %dma_start3A_36 = tpu.memref_slice %arg3[%dma_start3A_34, %dma_start3A_35] : memref<256x1024xf32, #tpu.memory_space<vmem>> -> memref<256x128xf32, #tpu.memory_space<vmem>>
    tpu.enqueue_dma source(%dma_start3A_36 : memref<256x128xf32, #tpu.memory_space<vmem>>) target(%dma_start3A_33 : memref<256x128xf32, #tpu.memory_space<any>>) target_semaphore(%arg8 : memref<!tpu.dma_semaphore, #tpu.memory_space<semaphore_mem>>)
    %dma_start3A_37 = arith.constant 3 : i32
    %dma_start3A_38 = arith.constant 0 : i32
    %dma_start3A_39 = arith.constant 0 : i32
    %dma_start3A_40 = tpu.memref_slice %arg1[%dma_start3A_38, %dma_start3A_37, %dma_start3A_39] : memref<1024x8x128xf32, #tpu.memory_space<any>> -> memref<256x1x128xf32, #tpu.memory_space<any>>
    %dma_start3A_41 = tpu.memref_squeeze %dma_start3A_40 : memref<256x1x128xf32, #tpu.memory_space<any>> -> memref<256x128xf32, #tpu.memory_space<any>>
    %dma_start3A_42 = arith.constant 0 : i32
    %dma_start3A_43 = arith.constant 384 : i32
    %dma_start3A_44 = tpu.memref_slice %arg3[%dma_start3A_42, %dma_start3A_43] : memref<256x1024xf32, #tpu.memory_space<vmem>> -> memref<256x128xf32, #tpu.memory_space<vmem>>
    tpu.enqueue_dma source(%dma_start3A_44 : memref<256x128xf32, #tpu.memory_space<vmem>>) target(%dma_start3A_41 : memref<256x128xf32, #tpu.memory_space<any>>) target_semaphore(%arg8 : memref<!tpu.dma_semaphore, #tpu.memory_space<semaphore_mem>>)
    %dma_start3A_45 = arith.constant 4 : i32
    %dma_start3A_46 = arith.constant 0 : i32
    %dma_start3A_47 = arith.constant 0 : i32
    %dma_start3A_48 = tpu.memref_slice %arg1[%dma_start3A_46, %dma_start3A_45, %dma_start3A_47] : memref<1024x8x128xf32, #tpu.memory_space<any>> -> memref<256x1x128xf32, #tpu.memory_space<any>>
    %dma_start3A_49 = tpu.memref_squeeze %dma_start3A_48 : memref<256x1x128xf32, #tpu.memory_space<any>> -> memref<256x128xf32, #tpu.memory_space<any>>
    %dma_start3A_50 = arith.constant 0 : i32
    %dma_start3A_51 = arith.constant 512 : i32
    %dma_start3A_52 = tpu.memref_slice %arg3[%dma_start3A_50, %dma_start3A_51] : memref<256x1024xf32, #tpu.memory_space<vmem>> -> memref<256x128xf32, #tpu.memory_space<vmem>>
    tpu.enqueue_dma source(%dma_start3A_52 : memref<256x128xf32, #tpu.memory_space<vmem>>) target(%dma_start3A_49 : memref<256x128xf32, #tpu.memory_space<any>>) target_semaphore(%arg8 : memref<!tpu.dma_semaphore, #tpu.memory_space<semaphore_mem>>)
    %dma_start3A_53 = arith.constant 5 : i32
    %dma_start3A_54 = arith.constant 0 : i32
    %dma_start3A_55 = arith.constant 0 : i32
    %dma_start3A_56 = tpu.memref_slice %arg1[%dma_start3A_54, %dma_start3A_53, %dma_start3A_55] : memref<1024x8x128xf32, #tpu.memory_space<any>> -> memref<256x1x128xf32, #tpu.memory_space<any>>
    %dma_start3A_57 = tpu.memref_squeeze %dma_start3A_56 : memref<256x1x128xf32, #tpu.memory_space<any>> -> memref<256x128xf32, #tpu.memory_space<any>>
    %dma_start3A_58 = arith.constant 0 : i32
    %dma_start3A_59 = arith.constant 640 : i32
    %dma_start3A_60 = tpu.memref_slice %arg3[%dma_start3A_58, %dma_start3A_59] : memref<256x1024xf32, #tpu.memory_space<vmem>> -> memref<256x128xf32, #tpu.memory_space<vmem>>
    tpu.enqueue_dma source(%dma_start3A_60 : memref<256x128xf32, #tpu.memory_space<vmem>>) target(%dma_start3A_57 : memref<256x128xf32, #tpu.memory_space<any>>) target_semaphore(%arg8 : memref<!tpu.dma_semaphore, #tpu.memory_space<semaphore_mem>>)
    %dma_start3A_61 = arith.constant 6 : i32
    %dma_start3A_62 = arith.constant 0 : i32
    %dma_start3A_63 = arith.constant 0 : i32
    %dma_start3A_64 = tpu.memref_slice %arg1[%dma_start3A_62, %dma_start3A_61, %dma_start3A_63] : memref<1024x8x128xf32, #tpu.memory_space<any>> -> memref<256x1x128xf32, #tpu.memory_space<any>>
    %dma_start3A_65 = tpu.memref_squeeze %dma_start3A_64 : memref<256x1x128xf32, #tpu.memory_space<any>> -> memref<256x128xf32, #tpu.memory_space<any>>
    %dma_start3A_66 = arith.constant 0 : i32
    %dma_start3A_67 = arith.constant 768 : i32
    %dma_start3A_68 = tpu.memref_slice %arg3[%dma_start3A_66, %dma_start3A_67] : memref<256x1024xf32, #tpu.memory_space<vmem>> -> memref<256x128xf32, #tpu.memory_space<vmem>>
    tpu.enqueue_dma source(%dma_start3A_68 : memref<256x128xf32, #tpu.memory_space<vmem>>) target(%dma_start3A_65 : memref<256x128xf32, #tpu.memory_space<any>>) target_semaphore(%arg8 : memref<!tpu.dma_semaphore, #tpu.memory_space<semaphore_mem>>)
    %dma_start3A_69 = arith.constant 7 : i32
    %dma_start3A_70 = arith.constant 0 : i32
    %dma_start3A_71 = arith.constant 0 : i32
    %dma_start3A_72 = tpu.memref_slice %arg1[%dma_start3A_70, %dma_start3A_69, %dma_start3A_71] : memref<1024x8x128xf32, #tpu.memory_space<any>> -> memref<256x1x128xf32, #tpu.memory_space<any>>
    %dma_start3A_73 = tpu.memref_squeeze %dma_start3A_72 : memref<256x1x128xf32, #tpu.memory_space<any>> -> memref<256x128xf32, #tpu.memory_space<any>>
    %dma_start3A_74 = arith.constant 0 : i32
    %dma_start3A_75 = arith.constant 896 : i32
    %dma_start3A_76 = tpu.memref_slice %arg3[%dma_start3A_74, %dma_start3A_75] : memref<256x1024xf32, #tpu.memory_space<vmem>> -> memref<256x128xf32, #tpu.memory_space<vmem>>
    tpu.enqueue_dma source(%dma_start3A_76 : memref<256x128xf32, #tpu.memory_space<vmem>>) target(%dma_start3A_73 : memref<256x128xf32, #tpu.memory_space<any>>) target_semaphore(%arg8 : memref<!tpu.dma_semaphore, #tpu.memory_space<semaphore_mem>>)
    %get3A = arith.constant 0 : index
    %get3A_77 = arith.constant 0 : index
    %get3A_78 = vector.load %arg3[%get3A, %get3A_77] : memref<256x1024xf32, #tpu.memory_space<vmem>>, vector<256x1024xf32>
    %sub3A = arith.constant 1.200000e+01 : f32
    %sub3A_79 = vector.broadcast %sub3A : f32 to vector<256x1024xf32>
    %sub3A_80 = arith.subf %get3A_78, %sub3A_79 : vector<256x1024xf32>
    %exp3A = math.exp %sub3A_80 : vector<256x1024xf32>
    %reduce_sum3A = vector.shape_cast %exp3A : vector<256x1024xf32> to vector<1x256x1024xf32>
    %reduce_sum3A_81 = arith.constant dense<0.000000e+00> : vector<1xf32>
    %reduce_sum3A_82 = vector.multi_reduction <add>, %reduce_sum3A, %reduce_sum3A_81 [1, 2] : vector<1x256x1024xf32> to vector<1xf32>
    %reduce_sum3A_83 = vector.shape_cast %reduce_sum3A_82 : vector<1xf32> to vector<1x1x1xf32>
    %reduce_sum3A_84 = vector.extract %reduce_sum3A_83[0, 0, 0] : f32 from vector<1x1x1xf32>
    %add3A = arith.constant 0.000000e+00 : f32
    %add3A_85 = arith.addf %add3A, %reduce_sum3A_84 : f32
    %dma_wait3A_86 = arith.constant 256 : i32
    %dma_wait3A_87 = arith.constant 0 : i32
    %dma_wait3A_88 = tpu.memref_slice %arg0[%dma_wait3A_86, %dma_wait3A_87] : memref<1024x1024xf32, #tpu.memory_space<any>> -> memref<256x1024xf32, #tpu.memory_space<any>>
    tpu.wait_dma2 semaphore(%arg7 : memref<!tpu.dma_semaphore, #tpu.memory_space<semaphore_mem>>) src(%dma_wait3A_88 : memref<256x1024xf32, #tpu.memory_space<any>>) dst(%arg4 : memref<256x1024xf32, #tpu.memory_space<vmem>>)
    %dma_start3A_89 = arith.constant 0 : i32
    %dma_start3A_90 = arith.constant 256 : i32
    %dma_start3A_91 = arith.constant 0 : i32
    %dma_start3A_92 = tpu.memref_slice %arg1[%dma_start3A_90, %dma_start3A_89, %dma_start3A_91] : memref<1024x8x128xf32, #tpu.memory_space<any>> -> memref<256x1x128xf32, #tpu.memory_space<any>>
    %dma_start3A_93 = tpu.memref_squeeze %dma_start3A_92 : memref<256x1x128xf32, #tpu.memory_space<any>> -> memref<256x128xf32, #tpu.memory_space<any>>
    %dma_start3A_94 = arith.constant 0 : i32
    %dma_start3A_95 = arith.constant 0 : i32
    %dma_start3A_96 = tpu.memref_slice %arg4[%dma_start3A_94, %dma_start3A_95] : memref<256x1024xf32, #tpu.memory_space<vmem>> -> memref<256x128xf32, #tpu.memory_space<vmem>>
    tpu.enqueue_dma source(%dma_start3A_96 : memref<256x128xf32, #tpu.memory_space<vmem>>) target(%dma_start3A_93 : memref<256x128xf32, #tpu.memory_space<any>>) target_semaphore(%arg9 : memref<!tpu.dma_semaphore, #tpu.memory_space<semaphore_mem>>)
    %dma_start3A_97 = arith.constant 1 : i32
    %dma_start3A_98 = arith.constant 256 : i32
    %dma_start3A_99 = arith.constant 0 : i32
    %dma_start3A_100 = tpu.memref_slice %arg1[%dma_start3A_98, %dma_start3A_97, %dma_start3A_99] : memref<1024x8x128xf32, #tpu.memory_space<any>> -> memref<256x1x128xf32, #tpu.memory_space<any>>
    %dma_start3A_101 = tpu.memref_squeeze %dma_start3A_100 : memref<256x1x128xf32, #tpu.memory_space<any>> -> memref<256x128xf32, #tpu.memory_space<any>>
    %dma_start3A_102 = arith.constant 0 : i32
    %dma_start3A_103 = arith.constant 128 : i32
    %dma_start3A_104 = tpu.memref_slice %arg4[%dma_start3A_102, %dma_start3A_103] : memref<256x1024xf32, #tpu.memory_space<vmem>> -> memref<256x128xf32, #tpu.memory_space<vmem>>
    tpu.enqueue_dma source(%dma_start3A_104 : memref<256x128xf32, #tpu.memory_space<vmem>>) target(%dma_start3A_101 : memref<256x128xf32, #tpu.memory_space<any>>) target_semaphore(%arg9 : memref<!tpu.dma_semaphore, #tpu.memory_space<semaphore_mem>>)
    %dma_start3A_105 = arith.constant 2 : i32
    %dma_start3A_106 = arith.constant 256 : i32
    %dma_start3A_107 = arith.constant 0 : i32
    %dma_start3A_108 = tpu.memref_slice %arg1[%dma_start3A_106, %dma_start3A_105, %dma_start3A_107] : memref<1024x8x128xf32, #tpu.memory_space<any>> -> memref<256x1x128xf32, #tpu.memory_space<any>>
    %dma_start3A_109 = tpu.memref_squeeze %dma_start3A_108 : memref<256x1x128xf32, #tpu.memory_space<any>> -> memref<256x128xf32, #tpu.memory_space<any>>
    %dma_start3A_110 = arith.constant 0 : i32
    %dma_start3A_111 = arith.constant 256 : i32
    %dma_start3A_112 = tpu.memref_slice %arg4[%dma_start3A_110, %dma_start3A_111] : memref<256x1024xf32, #tpu.memory_space<vmem>> -> memref<256x128xf32, #tpu.memory_space<vmem>>
    tpu.enqueue_dma source(%dma_start3A_112 : memref<256x128xf32, #tpu.memory_space<vmem>>) target(%dma_start3A_109 : memref<256x128xf32, #tpu.memory_space<any>>) target_semaphore(%arg9 : memref<!tpu.dma_semaphore, #tpu.memory_space<semaphore_mem>>)
    %dma_start3A_113 = arith.constant 3 : i32
    %dma_start3A_114 = arith.constant 256 : i32
    %dma_start3A_115 = arith.constant 0 : i32
    %dma_start3A_116 = tpu.memref_slice %arg1[%dma_start3A_114, %dma_start3A_113, %dma_start3A_115] : memref<1024x8x128xf32, #tpu.memory_space<any>> -> memref<256x1x128xf32, #tpu.memory_space<any>>
    %dma_start3A_117 = tpu.memref_squeeze %dma_start3A_116 : memref<256x1x128xf32, #tpu.memory_space<any>> -> memref<256x128xf32, #tpu.memory_space<any>>
    %dma_start3A_118 = arith.constant 0 : i32
    %dma_start3A_119 = arith.constant 384 : i32
    %dma_start3A_120 = tpu.memref_slice %arg4[%dma_start3A_118, %dma_start3A_119] : memref<256x1024xf32, #tpu.memory_space<vmem>> -> memref<256x128xf32, #tpu.memory_space<vmem>>
    tpu.enqueue_dma source(%dma_start3A_120 : memref<256x128xf32, #tpu.memory_space<vmem>>) target(%dma_start3A_117 : memref<256x128xf32, #tpu.memory_space<any>>) target_semaphore(%arg9 : memref<!tpu.dma_semaphore, #tpu.memory_space<semaphore_mem>>)
    %dma_start3A_121 = arith.constant 4 : i32
    %dma_start3A_122 = arith.constant 256 : i32
    %dma_start3A_123 = arith.constant 0 : i32
    %dma_start3A_124 = tpu.memref_slice %arg1[%dma_start3A_122, %dma_start3A_121, %dma_start3A_123] : memref<1024x8x128xf32, #tpu.memory_space<any>> -> memref<256x1x128xf32, #tpu.memory_space<any>>
    %dma_start3A_125 = tpu.memref_squeeze %dma_start3A_124 : memref<256x1x128xf32, #tpu.memory_space<any>> -> memref<256x128xf32, #tpu.memory_space<any>>
    %dma_start3A_126 = arith.constant 0 : i32
    %dma_start3A_127 = arith.constant 512 : i32
    %dma_start3A_128 = tpu.memref_slice %arg4[%dma_start3A_126, %dma_start3A_127] : memref<256x1024xf32, #tpu.memory_space<vmem>> -> memref<256x128xf32, #tpu.memory_space<vmem>>
    tpu.enqueue_dma source(%dma_start3A_128 : memref<256x128xf32, #tpu.memory_space<vmem>>) target(%dma_start3A_125 : memref<256x128xf32, #tpu.memory_space<any>>) target_semaphore(%arg9 : memref<!tpu.dma_semaphore, #tpu.memory_space<semaphore_mem>>)
    %dma_start3A_129 = arith.constant 5 : i32
    %dma_start3A_130 = arith.constant 256 : i32
    %dma_start3A_131 = arith.constant 0 : i32
    %dma_start3A_132 = tpu.memref_slice %arg1[%dma_start3A_130, %dma_start3A_129, %dma_start3A_131] : memref<1024x8x128xf32, #tpu.memory_space<any>> -> memref<256x1x128xf32, #tpu.memory_space<any>>
    %dma_start3A_133 = tpu.memref_squeeze %dma_start3A_132 : memref<256x1x128xf32, #tpu.memory_space<any>> -> memref<256x128xf32, #tpu.memory_space<any>>
    %dma_start3A_134 = arith.constant 0 : i32
    %dma_start3A_135 = arith.constant 640 : i32
    %dma_start3A_136 = tpu.memref_slice %arg4[%dma_start3A_134, %dma_start3A_135] : memref<256x1024xf32, #tpu.memory_space<vmem>> -> memref<256x128xf32, #tpu.memory_space<vmem>>
    tpu.enqueue_dma source(%dma_start3A_136 : memref<256x128xf32, #tpu.memory_space<vmem>>) target(%dma_start3A_133 : memref<256x128xf32, #tpu.memory_space<any>>) target_semaphore(%arg9 : memref<!tpu.dma_semaphore, #tpu.memory_space<semaphore_mem>>)
    %dma_start3A_137 = arith.constant 6 : i32
    %dma_start3A_138 = arith.constant 256 : i32
    %dma_start3A_139 = arith.constant 0 : i32
    %dma_start3A_140 = tpu.memref_slice %arg1[%dma_start3A_138, %dma_start3A_137, %dma_start3A_139] : memref<1024x8x128xf32, #tpu.memory_space<any>> -> memref<256x1x128xf32, #tpu.memory_space<any>>
    %dma_start3A_141 = tpu.memref_squeeze %dma_start3A_140 : memref<256x1x128xf32, #tpu.memory_space<any>> -> memref<256x128xf32, #tpu.memory_space<any>>
    %dma_start3A_142 = arith.constant 0 : i32
    %dma_start3A_143 = arith.constant 768 : i32
    %dma_start3A_144 = tpu.memref_slice %arg4[%dma_start3A_142, %dma_start3A_143] : memref<256x1024xf32, #tpu.memory_space<vmem>> -> memref<256x128xf32, #tpu.memory_space<vmem>>
    tpu.enqueue_dma source(%dma_start3A_144 : memref<256x128xf32, #tpu.memory_space<vmem>>) target(%dma_start3A_141 : memref<256x128xf32, #tpu.memory_space<any>>) target_semaphore(%arg9 : memref<!tpu.dma_semaphore, #tpu.memory_space<semaphore_mem>>)
    %dma_start3A_145 = arith.constant 7 : i32
    %dma_start3A_146 = arith.constant 256 : i32
    %dma_start3A_147 = arith.constant 0 : i32
    %dma_start3A_148 = tpu.memref_slice %arg1[%dma_start3A_146, %dma_start3A_145, %dma_start3A_147] : memref<1024x8x128xf32, #tpu.memory_space<any>> -> memref<256x1x128xf32, #tpu.memory_space<any>>
    %dma_start3A_149 = tpu.memref_squeeze %dma_start3A_148 : memref<256x1x128xf32, #tpu.memory_space<any>> -> memref<256x128xf32, #tpu.memory_space<any>>
    %dma_start3A_150 = arith.constant 0 : i32
    %dma_start3A_151 = arith.constant 896 : i32
    %dma_start3A_152 = tpu.memref_slice %arg4[%dma_start3A_150, %dma_start3A_151] : memref<256x1024xf32, #tpu.memory_space<vmem>> -> memref<256x128xf32, #tpu.memory_space<vmem>>
    tpu.enqueue_dma source(%dma_start3A_152 : memref<256x128xf32, #tpu.memory_space<vmem>>) target(%dma_start3A_149 : memref<256x128xf32, #tpu.memory_space<any>>) target_semaphore(%arg9 : memref<!tpu.dma_semaphore, #tpu.memory_space<semaphore_mem>>)
    %get3A_153 = arith.constant 0 : index
    %get3A_154 = arith.constant 0 : index
    %get3A_155 = vector.load %arg4[%get3A_153, %get3A_154] : memref<256x1024xf32, #tpu.memory_space<vmem>>, vector<256x1024xf32>
    %sub3A_156 = arith.constant 1.200000e+01 : f32
    %sub3A_157 = vector.broadcast %sub3A_156 : f32 to vector<256x1024xf32>
    %sub3A_158 = arith.subf %get3A_155, %sub3A_157 : vector<256x1024xf32>
    %exp3A_159 = math.exp %sub3A_158 : vector<256x1024xf32>
    %reduce_sum3A_160 = vector.shape_cast %exp3A_159 : vector<256x1024xf32> to vector<1x256x1024xf32>
    %reduce_sum3A_161 = arith.constant dense<0.000000e+00> : vector<1xf32>
    %reduce_sum3A_162 = vector.multi_reduction <add>, %reduce_sum3A_160, %reduce_sum3A_161 [1, 2] : vector<1x256x1024xf32> to vector<1xf32>
    %reduce_sum3A_163 = vector.shape_cast %reduce_sum3A_162 : vector<1xf32> to vector<1x1x1xf32>
    %reduce_sum3A_164 = vector.extract %reduce_sum3A_163[0, 0, 0] : f32 from vector<1x1x1xf32>
    %add3A_165 = arith.addf %add3A_85, %reduce_sum3A_164 : f32
    %dma_wait3A_166 = arith.constant 512 : i32
    %dma_wait3A_167 = arith.constant 0 : i32
    %dma_wait3A_168 = tpu.memref_slice %arg0[%dma_wait3A_166, %dma_wait3A_167] : memref<1024x1024xf32, #tpu.memory_space<any>> -> memref<256x1024xf32, #tpu.memory_space<any>>
    tpu.wait_dma2 semaphore(%arg7 : memref<!tpu.dma_semaphore, #tpu.memory_space<semaphore_mem>>) src(%dma_wait3A_168 : memref<256x1024xf32, #tpu.memory_space<any>>) dst(%arg5 : memref<256x1024xf32, #tpu.memory_space<vmem>>)
    %dma_start3A_169 = arith.constant 0 : i32
    %dma_start3A_170 = arith.constant 512 : i32
    %dma_start3A_171 = arith.constant 0 : i32
    %dma_start3A_172 = tpu.memref_slice %arg1[%dma_start3A_170, %dma_start3A_169, %dma_start3A_171] : memref<1024x8x128xf32, #tpu.memory_space<any>> -> memref<256x1x128xf32, #tpu.memory_space<any>>
    %dma_start3A_173 = tpu.memref_squeeze %dma_start3A_172 : memref<256x1x128xf32, #tpu.memory_space<any>> -> memref<256x128xf32, #tpu.memory_space<any>>
    %dma_start3A_174 = arith.constant 0 : i32
    %dma_start3A_175 = arith.constant 0 : i32
    %dma_start3A_176 = tpu.memref_slice %arg5[%dma_start3A_174, %dma_start3A_175] : memref<256x1024xf32, #tpu.memory_space<vmem>> -> memref<256x128xf32, #tpu.memory_space<vmem>>
    tpu.enqueue_dma source(%dma_start3A_176 : memref<256x128xf32, #tpu.memory_space<vmem>>) target(%dma_start3A_173 : memref<256x128xf32, #tpu.memory_space<any>>) target_semaphore(%arg10 : memref<!tpu.dma_semaphore, #tpu.memory_space<semaphore_mem>>)
    %dma_start3A_177 = arith.constant 1 : i32
    %dma_start3A_178 = arith.constant 512 : i32
    %dma_start3A_179 = arith.constant 0 : i32
    %dma_start3A_180 = tpu.memref_slice %arg1[%dma_start3A_178, %dma_start3A_177, %dma_start3A_179] : memref<1024x8x128xf32, #tpu.memory_space<any>> -> memref<256x1x128xf32, #tpu.memory_space<any>>
    %dma_start3A_181 = tpu.memref_squeeze %dma_start3A_180 : memref<256x1x128xf32, #tpu.memory_space<any>> -> memref<256x128xf32, #tpu.memory_space<any>>
    %dma_start3A_182 = arith.constant 0 : i32
    %dma_start3A_183 = arith.constant 128 : i32
    %dma_start3A_184 = tpu.memref_slice %arg5[%dma_start3A_182, %dma_start3A_183] : memref<256x1024xf32, #tpu.memory_space<vmem>> -> memref<256x128xf32, #tpu.memory_space<vmem>>
    tpu.enqueue_dma source(%dma_start3A_184 : memref<256x128xf32, #tpu.memory_space<vmem>>) target(%dma_start3A_181 : memref<256x128xf32, #tpu.memory_space<any>>) target_semaphore(%arg10 : memref<!tpu.dma_semaphore, #tpu.memory_space<semaphore_mem>>)
    %dma_start3A_185 = arith.constant 2 : i32
    %dma_start3A_186 = arith.constant 512 : i32
    %dma_start3A_187 = arith.constant 0 : i32
    %dma_start3A_188 = tpu.memref_slice %arg1[%dma_start3A_186, %dma_start3A_185, %dma_start3A_187] : memref<1024x8x128xf32, #tpu.memory_space<any>> -> memref<256x1x128xf32, #tpu.memory_space<any>>
    %dma_start3A_189 = tpu.memref_squeeze %dma_start3A_188 : memref<256x1x128xf32, #tpu.memory_space<any>> -> memref<256x128xf32, #tpu.memory_space<any>>
    %dma_start3A_190 = arith.constant 0 : i32
    %dma_start3A_191 = arith.constant 256 : i32
    %dma_start3A_192 = tpu.memref_slice %arg5[%dma_start3A_190, %dma_start3A_191] : memref<256x1024xf32, #tpu.memory_space<vmem>> -> memref<256x128xf32, #tpu.memory_space<vmem>>
    tpu.enqueue_dma source(%dma_start3A_192 : memref<256x128xf32, #tpu.memory_space<vmem>>) target(%dma_start3A_189 : memref<256x128xf32, #tpu.memory_space<any>>) target_semaphore(%arg10 : memref<!tpu.dma_semaphore, #tpu.memory_space<semaphore_mem>>)
    %dma_start3A_193 = arith.constant 3 : i32
    %dma_start3A_194 = arith.constant 512 : i32
    %dma_start3A_195 = arith.constant 0 : i32
    %dma_start3A_196 = tpu.memref_slice %arg1[%dma_start3A_194, %dma_start3A_193, %dma_start3A_195] : memref<1024x8x128xf32, #tpu.memory_space<any>> -> memref<256x1x128xf32, #tpu.memory_space<any>>
    %dma_start3A_197 = tpu.memref_squeeze %dma_start3A_196 : memref<256x1x128xf32, #tpu.memory_space<any>> -> memref<256x128xf32, #tpu.memory_space<any>>
    %dma_start3A_198 = arith.constant 0 : i32
    %dma_start3A_199 = arith.constant 384 : i32
    %dma_start3A_200 = tpu.memref_slice %arg5[%dma_start3A_198, %dma_start3A_199] : memref<256x1024xf32, #tpu.memory_space<vmem>> -> memref<256x128xf32, #tpu.memory_space<vmem>>
    tpu.enqueue_dma source(%dma_start3A_200 : memref<256x128xf32, #tpu.memory_space<vmem>>) target(%dma_start3A_197 : memref<256x128xf32, #tpu.memory_space<any>>) target_semaphore(%arg10 : memref<!tpu.dma_semaphore, #tpu.memory_space<semaphore_mem>>)
    %dma_start3A_201 = arith.constant 4 : i32
    %dma_start3A_202 = arith.constant 512 : i32
    %dma_start3A_203 = arith.constant 0 : i32
    %dma_start3A_204 = tpu.memref_slice %arg1[%dma_start3A_202, %dma_start3A_201, %dma_start3A_203] : memref<1024x8x128xf32, #tpu.memory_space<any>> -> memref<256x1x128xf32, #tpu.memory_space<any>>
    %dma_start3A_205 = tpu.memref_squeeze %dma_start3A_204 : memref<256x1x128xf32, #tpu.memory_space<any>> -> memref<256x128xf32, #tpu.memory_space<any>>
    %dma_start3A_206 = arith.constant 0 : i32
    %dma_start3A_207 = arith.constant 512 : i32
    %dma_start3A_208 = tpu.memref_slice %arg5[%dma_start3A_206, %dma_start3A_207] : memref<256x1024xf32, #tpu.memory_space<vmem>> -> memref<256x128xf32, #tpu.memory_space<vmem>>
    tpu.enqueue_dma source(%dma_start3A_208 : memref<256x128xf32, #tpu.memory_space<vmem>>) target(%dma_start3A_205 : memref<256x128xf32, #tpu.memory_space<any>>) target_semaphore(%arg10 : memref<!tpu.dma_semaphore, #tpu.memory_space<semaphore_mem>>)
    %dma_start3A_209 = arith.constant 5 : i32
    %dma_start3A_210 = arith.constant 512 : i32
    %dma_start3A_211 = arith.constant 0 : i32
    %dma_start3A_212 = tpu.memref_slice %arg1[%dma_start3A_210, %dma_start3A_209, %dma_start3A_211] : memref<1024x8x128xf32, #tpu.memory_space<any>> -> memref<256x1x128xf32, #tpu.memory_space<any>>
    %dma_start3A_213 = tpu.memref_squeeze %dma_start3A_212 : memref<256x1x128xf32, #tpu.memory_space<any>> -> memref<256x128xf32, #tpu.memory_space<any>>
    %dma_start3A_214 = arith.constant 0 : i32
    %dma_start3A_215 = arith.constant 640 : i32
    %dma_start3A_216 = tpu.memref_slice %arg5[%dma_start3A_214, %dma_start3A_215] : memref<256x1024xf32, #tpu.memory_space<vmem>> -> memref<256x128xf32, #tpu.memory_space<vmem>>
    tpu.enqueue_dma source(%dma_start3A_216 : memref<256x128xf32, #tpu.memory_space<vmem>>) target(%dma_start3A_213 : memref<256x128xf32, #tpu.memory_space<any>>) target_semaphore(%arg10 : memref<!tpu.dma_semaphore, #tpu.memory_space<semaphore_mem>>)
    %dma_start3A_217 = arith.constant 6 : i32
    %dma_start3A_218 = arith.constant 512 : i32
    %dma_start3A_219 = arith.constant 0 : i32
    %dma_start3A_220 = tpu.memref_slice %arg1[%dma_start3A_218, %dma_start3A_217, %dma_start3A_219] : memref<1024x8x128xf32, #tpu.memory_space<any>> -> memref<256x1x128xf32, #tpu.memory_space<any>>
    %dma_start3A_221 = tpu.memref_squeeze %dma_start3A_220 : memref<256x1x128xf32, #tpu.memory_space<any>> -> memref<256x128xf32, #tpu.memory_space<any>>
    %dma_start3A_222 = arith.constant 0 : i32
    %dma_start3A_223 = arith.constant 768 : i32
    %dma_start3A_224 = tpu.memref_slice %arg5[%dma_start3A_222, %dma_start3A_223] : memref<256x1024xf32, #tpu.memory_space<vmem>> -> memref<256x128xf32, #tpu.memory_space<vmem>>
    tpu.enqueue_dma source(%dma_start3A_224 : memref<256x128xf32, #tpu.memory_space<vmem>>) target(%dma_start3A_221 : memref<256x128xf32, #tpu.memory_space<any>>) target_semaphore(%arg10 : memref<!tpu.dma_semaphore, #tpu.memory_space<semaphore_mem>>)
    %dma_start3A_225 = arith.constant 7 : i32
    %dma_start3A_226 = arith.constant 512 : i32
    %dma_start3A_227 = arith.constant 0 : i32
    %dma_start3A_228 = tpu.memref_slice %arg1[%dma_start3A_226, %dma_start3A_225, %dma_start3A_227] : memref<1024x8x128xf32, #tpu.memory_space<any>> -> memref<256x1x128xf32, #tpu.memory_space<any>>
    %dma_start3A_229 = tpu.memref_squeeze %dma_start3A_228 : memref<256x1x128xf32, #tpu.memory_space<any>> -> memref<256x128xf32, #tpu.memory_space<any>>
    %dma_start3A_230 = arith.constant 0 : i32
    %dma_start3A_231 = arith.constant 896 : i32
    %dma_start3A_232 = tpu.memref_slice %arg5[%dma_start3A_230, %dma_start3A_231] : memref<256x1024xf32, #tpu.memory_space<vmem>> -> memref<256x128xf32, #tpu.memory_space<vmem>>
    tpu.enqueue_dma source(%dma_start3A_232 : memref<256x128xf32, #tpu.memory_space<vmem>>) target(%dma_start3A_229 : memref<256x128xf32, #tpu.memory_space<any>>) target_semaphore(%arg10 : memref<!tpu.dma_semaphore, #tpu.memory_space<semaphore_mem>>)
    %get3A_233 = arith.constant 0 : index
    %get3A_234 = arith.constant 0 : index
    %get3A_235 = vector.load %arg5[%get3A_233, %get3A_234] : memref<256x1024xf32, #tpu.memory_space<vmem>>, vector<256x1024xf32>
    %sub3A_236 = arith.constant 1.200000e+01 : f32
    %sub3A_237 = vector.broadcast %sub3A_236 : f32 to vector<256x1024xf32>
    %sub3A_238 = arith.subf %get3A_235, %sub3A_237 : vector<256x1024xf32>
    %exp3A_239 = math.exp %sub3A_238 : vector<256x1024xf32>
    %reduce_sum3A_240 = vector.shape_cast %exp3A_239 : vector<256x1024xf32> to vector<1x256x1024xf32>
    %reduce_sum3A_241 = arith.constant dense<0.000000e+00> : vector<1xf32>
    %reduce_sum3A_242 = vector.multi_reduction <add>, %reduce_sum3A_240, %reduce_sum3A_241 [1, 2] : vector<1x256x1024xf32> to vector<1xf32>
    %reduce_sum3A_243 = vector.shape_cast %reduce_sum3A_242 : vector<1xf32> to vector<1x1x1xf32>
    %reduce_sum3A_244 = vector.extract %reduce_sum3A_243[0, 0, 0] : f32 from vector<1x1x1xf32>
    %add3A_245 = arith.addf %add3A_165, %reduce_sum3A_244 : f32
    %dma_wait3A_246 = arith.constant 768 : i32
    %dma_wait3A_247 = arith.constant 0 : i32
    %dma_wait3A_248 = tpu.memref_slice %arg0[%dma_wait3A_246, %dma_wait3A_247] : memref<1024x1024xf32, #tpu.memory_space<any>> -> memref<256x1024xf32, #tpu.memory_space<any>>
    tpu.wait_dma2 semaphore(%arg7 : memref<!tpu.dma_semaphore, #tpu.memory_space<semaphore_mem>>) src(%dma_wait3A_248 : memref<256x1024xf32, #tpu.memory_space<any>>) dst(%arg6 : memref<256x1024xf32, #tpu.memory_space<vmem>>)
    %dma_start3A_249 = arith.constant 0 : i32
    %dma_start3A_250 = arith.constant 768 : i32
    %dma_start3A_251 = arith.constant 0 : i32
    %dma_start3A_252 = tpu.memref_slice %arg1[%dma_start3A_250, %dma_start3A_249, %dma_start3A_251] : memref<1024x8x128xf32, #tpu.memory_space<any>> -> memref<256x1x128xf32, #tpu.memory_space<any>>
    %dma_start3A_253 = tpu.memref_squeeze %dma_start3A_252 : memref<256x1x128xf32, #tpu.memory_space<any>> -> memref<256x128xf32, #tpu.memory_space<any>>
    %dma_start3A_254 = arith.constant 0 : i32
    %dma_start3A_255 = arith.constant 0 : i32
    %dma_start3A_256 = tpu.memref_slice %arg6[%dma_start3A_254, %dma_start3A_255] : memref<256x1024xf32, #tpu.memory_space<vmem>> -> memref<256x128xf32, #tpu.memory_space<vmem>>
    tpu.enqueue_dma source(%dma_start3A_256 : memref<256x128xf32, #tpu.memory_space<vmem>>) target(%dma_start3A_253 : memref<256x128xf32, #tpu.memory_space<any>>) target_semaphore(%arg11 : memref<!tpu.dma_semaphore, #tpu.memory_space<semaphore_mem>>)
    %dma_start3A_257 = arith.constant 1 : i32
    %dma_start3A_258 = arith.constant 768 : i32
    %dma_start3A_259 = arith.constant 0 : i32
    %dma_start3A_260 = tpu.memref_slice %arg1[%dma_start3A_258, %dma_start3A_257, %dma_start3A_259] : memref<1024x8x128xf32, #tpu.memory_space<any>> -> memref<256x1x128xf32, #tpu.memory_space<any>>
    %dma_start3A_261 = tpu.memref_squeeze %dma_start3A_260 : memref<256x1x128xf32, #tpu.memory_space<any>> -> memref<256x128xf32, #tpu.memory_space<any>>
    %dma_start3A_262 = arith.constant 0 : i32
    %dma_start3A_263 = arith.constant 128 : i32
    %dma_start3A_264 = tpu.memref_slice %arg6[%dma_start3A_262, %dma_start3A_263] : memref<256x1024xf32, #tpu.memory_space<vmem>> -> memref<256x128xf32, #tpu.memory_space<vmem>>
    tpu.enqueue_dma source(%dma_start3A_264 : memref<256x128xf32, #tpu.memory_space<vmem>>) target(%dma_start3A_261 : memref<256x128xf32, #tpu.memory_space<any>>) target_semaphore(%arg11 : memref<!tpu.dma_semaphore, #tpu.memory_space<semaphore_mem>>)
    %dma_start3A_265 = arith.constant 2 : i32
    %dma_start3A_266 = arith.constant 768 : i32
    %dma_start3A_267 = arith.constant 0 : i32
    %dma_start3A_268 = tpu.memref_slice %arg1[%dma_start3A_266, %dma_start3A_265, %dma_start3A_267] : memref<1024x8x128xf32, #tpu.memory_space<any>> -> memref<256x1x128xf32, #tpu.memory_space<any>>
    %dma_start3A_269 = tpu.memref_squeeze %dma_start3A_268 : memref<256x1x128xf32, #tpu.memory_space<any>> -> memref<256x128xf32, #tpu.memory_space<any>>
    %dma_start3A_270 = arith.constant 0 : i32
    %dma_start3A_271 = arith.constant 256 : i32
    %dma_start3A_272 = tpu.memref_slice %arg6[%dma_start3A_270, %dma_start3A_271] : memref<256x1024xf32, #tpu.memory_space<vmem>> -> memref<256x128xf32, #tpu.memory_space<vmem>>
    tpu.enqueue_dma source(%dma_start3A_272 : memref<256x128xf32, #tpu.memory_space<vmem>>) target(%dma_start3A_269 : memref<256x128xf32, #tpu.memory_space<any>>) target_semaphore(%arg11 : memref<!tpu.dma_semaphore, #tpu.memory_space<semaphore_mem>>)
    %dma_start3A_273 = arith.constant 3 : i32
    %dma_start3A_274 = arith.constant 768 : i32
    %dma_start3A_275 = arith.constant 0 : i32
    %dma_start3A_276 = tpu.memref_slice %arg1[%dma_start3A_274, %dma_start3A_273, %dma_start3A_275] : memref<1024x8x128xf32, #tpu.memory_space<any>> -> memref<256x1x128xf32, #tpu.memory_space<any>>
    %dma_start3A_277 = tpu.memref_squeeze %dma_start3A_276 : memref<256x1x128xf32, #tpu.memory_space<any>> -> memref<256x128xf32, #tpu.memory_space<any>>
    %dma_start3A_278 = arith.constant 0 : i32
    %dma_start3A_279 = arith.constant 384 : i32
    %dma_start3A_280 = tpu.memref_slice %arg6[%dma_start3A_278, %dma_start3A_279] : memref<256x1024xf32, #tpu.memory_space<vmem>> -> memref<256x128xf32, #tpu.memory_space<vmem>>
    tpu.enqueue_dma source(%dma_start3A_280 : memref<256x128xf32, #tpu.memory_space<vmem>>) target(%dma_start3A_277 : memref<256x128xf32, #tpu.memory_space<any>>) target_semaphore(%arg11 : memref<!tpu.dma_semaphore, #tpu.memory_space<semaphore_mem>>)
    %dma_start3A_281 = arith.constant 4 : i32
    %dma_start3A_282 = arith.constant 768 : i32
    %dma_start3A_283 = arith.constant 0 : i32
    %dma_start3A_284 = tpu.memref_slice %arg1[%dma_start3A_282, %dma_start3A_281, %dma_start3A_283] : memref<1024x8x128xf32, #tpu.memory_space<any>> -> memref<256x1x128xf32, #tpu.memory_space<any>>
    %dma_start3A_285 = tpu.memref_squeeze %dma_start3A_284 : memref<256x1x128xf32, #tpu.memory_space<any>> -> memref<256x128xf32, #tpu.memory_space<any>>
    %dma_start3A_286 = arith.constant 0 : i32
    %dma_start3A_287 = arith.constant 512 : i32
    %dma_start3A_288 = tpu.memref_slice %arg6[%dma_start3A_286, %dma_start3A_287] : memref<256x1024xf32, #tpu.memory_space<vmem>> -> memref<256x128xf32, #tpu.memory_space<vmem>>
    tpu.enqueue_dma source(%dma_start3A_288 : memref<256x128xf32, #tpu.memory_space<vmem>>) target(%dma_start3A_285 : memref<256x128xf32, #tpu.memory_space<any>>) target_semaphore(%arg11 : memref<!tpu.dma_semaphore, #tpu.memory_space<semaphore_mem>>)
    %dma_start3A_289 = arith.constant 5 : i32
    %dma_start3A_290 = arith.constant 768 : i32
    %dma_start3A_291 = arith.constant 0 : i32
    %dma_start3A_292 = tpu.memref_slice %arg1[%dma_start3A_290, %dma_start3A_289, %dma_start3A_291] : memref<1024x8x128xf32, #tpu.memory_space<any>> -> memref<256x1x128xf32, #tpu.memory_space<any>>
    %dma_start3A_293 = tpu.memref_squeeze %dma_start3A_292 : memref<256x1x128xf32, #tpu.memory_space<any>> -> memref<256x128xf32, #tpu.memory_space<any>>
    %dma_start3A_294 = arith.constant 0 : i32
    %dma_start3A_295 = arith.constant 640 : i32
    %dma_start3A_296 = tpu.memref_slice %arg6[%dma_start3A_294, %dma_start3A_295] : memref<256x1024xf32, #tpu.memory_space<vmem>> -> memref<256x128xf32, #tpu.memory_space<vmem>>
    tpu.enqueue_dma source(%dma_start3A_296 : memref<256x128xf32, #tpu.memory_space<vmem>>) target(%dma_start3A_293 : memref<256x128xf32, #tpu.memory_space<any>>) target_semaphore(%arg11 : memref<!tpu.dma_semaphore, #tpu.memory_space<semaphore_mem>>)
    %dma_start3A_297 = arith.constant 6 : i32
    %dma_start3A_298 = arith.constant 768 : i32
    %dma_start3A_299 = arith.constant 0 : i32
    %dma_start3A_300 = tpu.memref_slice %arg1[%dma_start3A_298, %dma_start3A_297, %dma_start3A_299] : memref<1024x8x128xf32, #tpu.memory_space<any>> -> memref<256x1x128xf32, #tpu.memory_space<any>>
    %dma_start3A_301 = tpu.memref_squeeze %dma_start3A_300 : memref<256x1x128xf32, #tpu.memory_space<any>> -> memref<256x128xf32, #tpu.memory_space<any>>
    %dma_start3A_302 = arith.constant 0 : i32
    %dma_start3A_303 = arith.constant 768 : i32
    %dma_start3A_304 = tpu.memref_slice %arg6[%dma_start3A_302, %dma_start3A_303] : memref<256x1024xf32, #tpu.memory_space<vmem>> -> memref<256x128xf32, #tpu.memory_space<vmem>>
    tpu.enqueue_dma source(%dma_start3A_304 : memref<256x128xf32, #tpu.memory_space<vmem>>) target(%dma_start3A_301 : memref<256x128xf32, #tpu.memory_space<any>>) target_semaphore(%arg11 : memref<!tpu.dma_semaphore, #tpu.memory_space<semaphore_mem>>)
    %dma_start3A_305 = arith.constant 7 : i32
    %dma_start3A_306 = arith.constant 768 : i32
    %dma_start3A_307 = arith.constant 0 : i32
    %dma_start3A_308 = tpu.memref_slice %arg1[%dma_start3A_306, %dma_start3A_305, %dma_start3A_307] : memref<1024x8x128xf32, #tpu.memory_space<any>> -> memref<256x1x128xf32, #tpu.memory_space<any>>
    %dma_start3A_309 = tpu.memref_squeeze %dma_start3A_308 : memref<256x1x128xf32, #tpu.memory_space<any>> -> memref<256x128xf32, #tpu.memory_space<any>>
    %dma_start3A_310 = arith.constant 0 : i32
    %dma_start3A_311 = arith.constant 896 : i32
    %dma_start3A_312 = tpu.memref_slice %arg6[%dma_start3A_310, %dma_start3A_311] : memref<256x1024xf32, #tpu.memory_space<vmem>> -> memref<256x128xf32, #tpu.memory_space<vmem>>
    tpu.enqueue_dma source(%dma_start3A_312 : memref<256x128xf32, #tpu.memory_space<vmem>>) target(%dma_start3A_309 : memref<256x128xf32, #tpu.memory_space<any>>) target_semaphore(%arg11 : memref<!tpu.dma_semaphore, #tpu.memory_space<semaphore_mem>>)
    %get3A_313 = arith.constant 0 : index
    %get3A_314 = arith.constant 0 : index
    %get3A_315 = vector.load %arg6[%get3A_313, %get3A_314] : memref<256x1024xf32, #tpu.memory_space<vmem>>, vector<256x1024xf32>
    %sub3A_316 = arith.constant 1.200000e+01 : f32
    %sub3A_317 = vector.broadcast %sub3A_316 : f32 to vector<256x1024xf32>
    %sub3A_318 = arith.subf %get3A_315, %sub3A_317 : vector<256x1024xf32>
    %exp3A_319 = math.exp %sub3A_318 : vector<256x1024xf32>
    %reduce_sum3A_320 = vector.shape_cast %exp3A_319 : vector<256x1024xf32> to vector<1x256x1024xf32>
    %reduce_sum3A_321 = arith.constant dense<0.000000e+00> : vector<1xf32>
    %reduce_sum3A_322 = vector.multi_reduction <add>, %reduce_sum3A_320, %reduce_sum3A_321 [1, 2] : vector<1x256x1024xf32> to vector<1xf32>
    %reduce_sum3A_323 = vector.shape_cast %reduce_sum3A_322 : vector<1xf32> to vector<1x1x1xf32>
    %reduce_sum3A_324 = vector.extract %reduce_sum3A_323[0, 0, 0] : f32 from vector<1x1x1xf32>
    %add3A_325 = arith.addf %add3A_245, %reduce_sum3A_324 : f32
    %dma_wait3A_326 = arith.constant 0 : i32
    %dma_wait3A_327 = arith.constant 0 : i32
    %dma_wait3A_328 = arith.constant 0 : i32
    %dma_wait3A_329 = tpu.memref_slice %arg1[%dma_wait3A_327, %dma_wait3A_326, %dma_wait3A_328] : memref<1024x8x128xf32, #tpu.memory_space<any>> -> memref<256x1x128xf32, #tpu.memory_space<any>>
    %dma_wait3A_330 = tpu.memref_squeeze %dma_wait3A_329 : memref<256x1x128xf32, #tpu.memory_space<any>> -> memref<256x128xf32, #tpu.memory_space<any>>
    %dma_wait3A_331 = arith.constant 0 : i32
    %dma_wait3A_332 = arith.constant 0 : i32
    %dma_wait3A_333 = tpu.memref_slice %arg3[%dma_wait3A_331, %dma_wait3A_332] : memref<256x1024xf32, #tpu.memory_space<vmem>> -> memref<256x128xf32, #tpu.memory_space<vmem>>
    tpu.wait_dma2 semaphore(%arg8 : memref<!tpu.dma_semaphore, #tpu.memory_space<semaphore_mem>>) src(%dma_wait3A_333 : memref<256x128xf32, #tpu.memory_space<vmem>>) dst(%dma_wait3A_330 : memref<256x128xf32, #tpu.memory_space<any>>)
    %dma_wait3A_334 = arith.constant 1 : i32
    %dma_wait3A_335 = arith.constant 0 : i32
    %dma_wait3A_336 = arith.constant 0 : i32
    %dma_wait3A_337 = tpu.memref_slice %arg1[%dma_wait3A_335, %dma_wait3A_334, %dma_wait3A_336] : memref<1024x8x128xf32, #tpu.memory_space<any>> -> memref<256x1x128xf32, #tpu.memory_space<any>>
    %dma_wait3A_338 = tpu.memref_squeeze %dma_wait3A_337 : memref<256x1x128xf32, #tpu.memory_space<any>> -> memref<256x128xf32, #tpu.memory_space<any>>
    %dma_wait3A_339 = arith.constant 0 : i32
    %dma_wait3A_340 = arith.constant 128 : i32
    %dma_wait3A_341 = tpu.memref_slice %arg3[%dma_wait3A_339, %dma_wait3A_340] : memref<256x1024xf32, #tpu.memory_space<vmem>> -> memref<256x128xf32, #tpu.memory_space<vmem>>
    tpu.wait_dma2 semaphore(%arg8 : memref<!tpu.dma_semaphore, #tpu.memory_space<semaphore_mem>>) src(%dma_wait3A_341 : memref<256x128xf32, #tpu.memory_space<vmem>>) dst(%dma_wait3A_338 : memref<256x128xf32, #tpu.memory_space<any>>)
    %dma_wait3A_342 = arith.constant 2 : i32
    %dma_wait3A_343 = arith.constant 0 : i32
    %dma_wait3A_344 = arith.constant 0 : i32
    %dma_wait3A_345 = tpu.memref_slice %arg1[%dma_wait3A_343, %dma_wait3A_342, %dma_wait3A_344] : memref<1024x8x128xf32, #tpu.memory_space<any>> -> memref<256x1x128xf32, #tpu.memory_space<any>>
    %dma_wait3A_346 = tpu.memref_squeeze %dma_wait3A_345 : memref<256x1x128xf32, #tpu.memory_space<any>> -> memref<256x128xf32, #tpu.memory_space<any>>
    %dma_wait3A_347 = arith.constant 0 : i32
    %dma_wait3A_348 = arith.constant 256 : i32
    %dma_wait3A_349 = tpu.memref_slice %arg3[%dma_wait3A_347, %dma_wait3A_348] : memref<256x1024xf32, #tpu.memory_space<vmem>> -> memref<256x128xf32, #tpu.memory_space<vmem>>
    tpu.wait_dma2 semaphore(%arg8 : memref<!tpu.dma_semaphore, #tpu.memory_space<semaphore_mem>>) src(%dma_wait3A_349 : memref<256x128xf32, #tpu.memory_space<vmem>>) dst(%dma_wait3A_346 : memref<256x128xf32, #tpu.memory_space<any>>)
    %dma_wait3A_350 = arith.constant 3 : i32
    %dma_wait3A_351 = arith.constant 0 : i32
    %dma_wait3A_352 = arith.constant 0 : i32
    %dma_wait3A_353 = tpu.memref_slice %arg1[%dma_wait3A_351, %dma_wait3A_350, %dma_wait3A_352] : memref<1024x8x128xf32, #tpu.memory_space<any>> -> memref<256x1x128xf32, #tpu.memory_space<any>>
    %dma_wait3A_354 = tpu.memref_squeeze %dma_wait3A_353 : memref<256x1x128xf32, #tpu.memory_space<any>> -> memref<256x128xf32, #tpu.memory_space<any>>
    %dma_wait3A_355 = arith.constant 0 : i32
    %dma_wait3A_356 = arith.constant 384 : i32
    %dma_wait3A_357 = tpu.memref_slice %arg3[%dma_wait3A_355, %dma_wait3A_356] : memref<256x1024xf32, #tpu.memory_space<vmem>> -> memref<256x128xf32, #tpu.memory_space<vmem>>
    tpu.wait_dma2 semaphore(%arg8 : memref<!tpu.dma_semaphore, #tpu.memory_space<semaphore_mem>>) src(%dma_wait3A_357 : memref<256x128xf32, #tpu.memory_space<vmem>>) dst(%dma_wait3A_354 : memref<256x128xf32, #tpu.memory_space<any>>)
    %dma_wait3A_358 = arith.constant 4 : i32
    %dma_wait3A_359 = arith.constant 0 : i32
    %dma_wait3A_360 = arith.constant 0 : i32
    %dma_wait3A_361 = tpu.memref_slice %arg1[%dma_wait3A_359, %dma_wait3A_358, %dma_wait3A_360] : memref<1024x8x128xf32, #tpu.memory_space<any>> -> memref<256x1x128xf32, #tpu.memory_space<any>>
    %dma_wait3A_362 = tpu.memref_squeeze %dma_wait3A_361 : memref<256x1x128xf32, #tpu.memory_space<any>> -> memref<256x128xf32, #tpu.memory_space<any>>
    %dma_wait3A_363 = arith.constant 0 : i32
    %dma_wait3A_364 = arith.constant 512 : i32
    %dma_wait3A_365 = tpu.memref_slice %arg3[%dma_wait3A_363, %dma_wait3A_364] : memref<256x1024xf32, #tpu.memory_space<vmem>> -> memref<256x128xf32, #tpu.memory_space<vmem>>
    tpu.wait_dma2 semaphore(%arg8 : memref<!tpu.dma_semaphore, #tpu.memory_space<semaphore_mem>>) src(%dma_wait3A_365 : memref<256x128xf32, #tpu.memory_space<vmem>>) dst(%dma_wait3A_362 : memref<256x128xf32, #tpu.memory_space<any>>)
    %dma_wait3A_366 = arith.constant 5 : i32
    %dma_wait3A_367 = arith.constant 0 : i32
    %dma_wait3A_368 = arith.constant 0 : i32
    %dma_wait3A_369 = tpu.memref_slice %arg1[%dma_wait3A_367, %dma_wait3A_366, %dma_wait3A_368] : memref<1024x8x128xf32, #tpu.memory_space<any>> -> memref<256x1x128xf32, #tpu.memory_space<any>>
    %dma_wait3A_370 = tpu.memref_squeeze %dma_wait3A_369 : memref<256x1x128xf32, #tpu.memory_space<any>> -> memref<256x128xf32, #tpu.memory_space<any>>
    %dma_wait3A_371 = arith.constant 0 : i32
    %dma_wait3A_372 = arith.constant 640 : i32
    %dma_wait3A_373 = tpu.memref_slice %arg3[%dma_wait3A_371, %dma_wait3A_372] : memref<256x1024xf32, #tpu.memory_space<vmem>> -> memref<256x128xf32, #tpu.memory_space<vmem>>
    tpu.wait_dma2 semaphore(%arg8 : memref<!tpu.dma_semaphore, #tpu.memory_space<semaphore_mem>>) src(%dma_wait3A_373 : memref<256x128xf32, #tpu.memory_space<vmem>>) dst(%dma_wait3A_370 : memref<256x128xf32, #tpu.memory_space<any>>)
    %dma_wait3A_374 = arith.constant 6 : i32
    %dma_wait3A_375 = arith.constant 0 : i32
    %dma_wait3A_376 = arith.constant 0 : i32
    %dma_wait3A_377 = tpu.memref_slice %arg1[%dma_wait3A_375, %dma_wait3A_374, %dma_wait3A_376] : memref<1024x8x128xf32, #tpu.memory_space<any>> -> memref<256x1x128xf32, #tpu.memory_space<any>>
    %dma_wait3A_378 = tpu.memref_squeeze %dma_wait3A_377 : memref<256x1x128xf32, #tpu.memory_space<any>> -> memref<256x128xf32, #tpu.memory_space<any>>
    %dma_wait3A_379 = arith.constant 0 : i32
    %dma_wait3A_380 = arith.constant 768 : i32
    %dma_wait3A_381 = tpu.memref_slice %arg3[%dma_wait3A_379, %dma_wait3A_380] : memref<256x1024xf32, #tpu.memory_space<vmem>> -> memref<256x128xf32, #tpu.memory_space<vmem>>
    tpu.wait_dma2 semaphore(%arg8 : memref<!tpu.dma_semaphore, #tpu.memory_space<semaphore_mem>>) src(%dma_wait3A_381 : memref<256x128xf32, #tpu.memory_space<vmem>>) dst(%dma_wait3A_378 : memref<256x128xf32, #tpu.memory_space<any>>)
    %dma_wait3A_382 = arith.constant 7 : i32
    %dma_wait3A_383 = arith.constant 0 : i32
    %dma_wait3A_384 = arith.constant 0 : i32
    %dma_wait3A_385 = tpu.memref_slice %arg1[%dma_wait3A_383, %dma_wait3A_382, %dma_wait3A_384] : memref<1024x8x128xf32, #tpu.memory_space<any>> -> memref<256x1x128xf32, #tpu.memory_space<any>>
    %dma_wait3A_386 = tpu.memref_squeeze %dma_wait3A_385 : memref<256x1x128xf32, #tpu.memory_space<any>> -> memref<256x128xf32, #tpu.memory_space<any>>
    %dma_wait3A_387 = arith.constant 0 : i32
    %dma_wait3A_388 = arith.constant 896 : i32
    %dma_wait3A_389 = tpu.memref_slice %arg3[%dma_wait3A_387, %dma_wait3A_388] : memref<256x1024xf32, #tpu.memory_space<vmem>> -> memref<256x128xf32, #tpu.memory_space<vmem>>
    tpu.wait_dma2 semaphore(%arg8 : memref<!tpu.dma_semaphore, #tpu.memory_space<semaphore_mem>>) src(%dma_wait3A_389 : memref<256x128xf32, #tpu.memory_space<vmem>>) dst(%dma_wait3A_386 : memref<256x128xf32, #tpu.memory_space<any>>)
    %dma_wait3A_390 = arith.constant 0 : i32
    %dma_wait3A_391 = arith.constant 256 : i32
    %dma_wait3A_392 = arith.constant 0 : i32
    %dma_wait3A_393 = tpu.memref_slice %arg1[%dma_wait3A_391, %dma_wait3A_390, %dma_wait3A_392] : memref<1024x8x128xf32, #tpu.memory_space<any>> -> memref<256x1x128xf32, #tpu.memory_space<any>>
    %dma_wait3A_394 = tpu.memref_squeeze %dma_wait3A_393 : memref<256x1x128xf32, #tpu.memory_space<any>> -> memref<256x128xf32, #tpu.memory_space<any>>
    %dma_wait3A_395 = arith.constant 0 : i32
    %dma_wait3A_396 = arith.constant 0 : i32
    %dma_wait3A_397 = tpu.memref_slice %arg4[%dma_wait3A_395, %dma_wait3A_396] : memref<256x1024xf32, #tpu.memory_space<vmem>> -> memref<256x128xf32, #tpu.memory_space<vmem>>
    tpu.wait_dma2 semaphore(%arg9 : memref<!tpu.dma_semaphore, #tpu.memory_space<semaphore_mem>>) src(%dma_wait3A_397 : memref<256x128xf32, #tpu.memory_space<vmem>>) dst(%dma_wait3A_394 : memref<256x128xf32, #tpu.memory_space<any>>)
    %dma_wait3A_398 = arith.constant 1 : i32
    %dma_wait3A_399 = arith.constant 256 : i32
    %dma_wait3A_400 = arith.constant 0 : i32
    %dma_wait3A_401 = tpu.memref_slice %arg1[%dma_wait3A_399, %dma_wait3A_398, %dma_wait3A_400] : memref<1024x8x128xf32, #tpu.memory_space<any>> -> memref<256x1x128xf32, #tpu.memory_space<any>>
    %dma_wait3A_402 = tpu.memref_squeeze %dma_wait3A_401 : memref<256x1x128xf32, #tpu.memory_space<any>> -> memref<256x128xf32, #tpu.memory_space<any>>
    %dma_wait3A_403 = arith.constant 0 : i32
    %dma_wait3A_404 = arith.constant 128 : i32
    %dma_wait3A_405 = tpu.memref_slice %arg4[%dma_wait3A_403, %dma_wait3A_404] : memref<256x1024xf32, #tpu.memory_space<vmem>> -> memref<256x128xf32, #tpu.memory_space<vmem>>
    tpu.wait_dma2 semaphore(%arg9 : memref<!tpu.dma_semaphore, #tpu.memory_space<semaphore_mem>>) src(%dma_wait3A_405 : memref<256x128xf32, #tpu.memory_space<vmem>>) dst(%dma_wait3A_402 : memref<256x128xf32, #tpu.memory_space<any>>)
    %dma_wait3A_406 = arith.constant 2 : i32
    %dma_wait3A_407 = arith.constant 256 : i32
    %dma_wait3A_408 = arith.constant 0 : i32
    %dma_wait3A_409 = tpu.memref_slice %arg1[%dma_wait3A_407, %dma_wait3A_406, %dma_wait3A_408] : memref<1024x8x128xf32, #tpu.memory_space<any>> -> memref<256x1x128xf32, #tpu.memory_space<any>>
    %dma_wait3A_410 = tpu.memref_squeeze %dma_wait3A_409 : memref<256x1x128xf32, #tpu.memory_space<any>> -> memref<256x128xf32, #tpu.memory_space<any>>
    %dma_wait3A_411 = arith.constant 0 : i32
    %dma_wait3A_412 = arith.constant 256 : i32
    %dma_wait3A_413 = tpu.memref_slice %arg4[%dma_wait3A_411, %dma_wait3A_412] : memref<256x1024xf32, #tpu.memory_space<vmem>> -> memref<256x128xf32, #tpu.memory_space<vmem>>
    tpu.wait_dma2 semaphore(%arg9 : memref<!tpu.dma_semaphore, #tpu.memory_space<semaphore_mem>>) src(%dma_wait3A_413 : memref<256x128xf32, #tpu.memory_space<vmem>>) dst(%dma_wait3A_410 : memref<256x128xf32, #tpu.memory_space<any>>)
    %dma_wait3A_414 = arith.constant 3 : i32
    %dma_wait3A_415 = arith.constant 256 : i32
    %dma_wait3A_416 = arith.constant 0 : i32
    %dma_wait3A_417 = tpu.memref_slice %arg1[%dma_wait3A_415, %dma_wait3A_414, %dma_wait3A_416] : memref<1024x8x128xf32, #tpu.memory_space<any>> -> memref<256x1x128xf32, #tpu.memory_space<any>>
    %dma_wait3A_418 = tpu.memref_squeeze %dma_wait3A_417 : memref<256x1x128xf32, #tpu.memory_space<any>> -> memref<256x128xf32, #tpu.memory_space<any>>
    %dma_wait3A_419 = arith.constant 0 : i32
    %dma_wait3A_420 = arith.constant 384 : i32
    %dma_wait3A_421 = tpu.memref_slice %arg4[%dma_wait3A_419, %dma_wait3A_420] : memref<256x1024xf32, #tpu.memory_space<vmem>> -> memref<256x128xf32, #tpu.memory_space<vmem>>
    tpu.wait_dma2 semaphore(%arg9 : memref<!tpu.dma_semaphore, #tpu.memory_space<semaphore_mem>>) src(%dma_wait3A_421 : memref<256x128xf32, #tpu.memory_space<vmem>>) dst(%dma_wait3A_418 : memref<256x128xf32, #tpu.memory_space<any>>)
    %dma_wait3A_422 = arith.constant 4 : i32
    %dma_wait3A_423 = arith.constant 256 : i32
    %dma_wait3A_424 = arith.constant 0 : i32
    %dma_wait3A_425 = tpu.memref_slice %arg1[%dma_wait3A_423, %dma_wait3A_422, %dma_wait3A_424] : memref<1024x8x128xf32, #tpu.memory_space<any>> -> memref<256x1x128xf32, #tpu.memory_space<any>>
    %dma_wait3A_426 = tpu.memref_squeeze %dma_wait3A_425 : memref<256x1x128xf32, #tpu.memory_space<any>> -> memref<256x128xf32, #tpu.memory_space<any>>
    %dma_wait3A_427 = arith.constant 0 : i32
    %dma_wait3A_428 = arith.constant 512 : i32
    %dma_wait3A_429 = tpu.memref_slice %arg4[%dma_wait3A_427, %dma_wait3A_428] : memref<256x1024xf32, #tpu.memory_space<vmem>> -> memref<256x128xf32, #tpu.memory_space<vmem>>
    tpu.wait_dma2 semaphore(%arg9 : memref<!tpu.dma_semaphore, #tpu.memory_space<semaphore_mem>>) src(%dma_wait3A_429 : memref<256x128xf32, #tpu.memory_space<vmem>>) dst(%dma_wait3A_426 : memref<256x128xf32, #tpu.memory_space<any>>)
    %dma_wait3A_430 = arith.constant 5 : i32
    %dma_wait3A_431 = arith.constant 256 : i32
    %dma_wait3A_432 = arith.constant 0 : i32
    %dma_wait3A_433 = tpu.memref_slice %arg1[%dma_wait3A_431, %dma_wait3A_430, %dma_wait3A_432] : memref<1024x8x128xf32, #tpu.memory_space<any>> -> memref<256x1x128xf32, #tpu.memory_space<any>>
    %dma_wait3A_434 = tpu.memref_squeeze %dma_wait3A_433 : memref<256x1x128xf32, #tpu.memory_space<any>> -> memref<256x128xf32, #tpu.memory_space<any>>
    %dma_wait3A_435 = arith.constant 0 : i32
    %dma_wait3A_436 = arith.constant 640 : i32
    %dma_wait3A_437 = tpu.memref_slice %arg4[%dma_wait3A_435, %dma_wait3A_436] : memref<256x1024xf32, #tpu.memory_space<vmem>> -> memref<256x128xf32, #tpu.memory_space<vmem>>
    tpu.wait_dma2 semaphore(%arg9 : memref<!tpu.dma_semaphore, #tpu.memory_space<semaphore_mem>>) src(%dma_wait3A_437 : memref<256x128xf32, #tpu.memory_space<vmem>>) dst(%dma_wait3A_434 : memref<256x128xf32, #tpu.memory_space<any>>)
    %dma_wait3A_438 = arith.constant 6 : i32
    %dma_wait3A_439 = arith.constant 256 : i32
    %dma_wait3A_440 = arith.constant 0 : i32
    %dma_wait3A_441 = tpu.memref_slice %arg1[%dma_wait3A_439, %dma_wait3A_438, %dma_wait3A_440] : memref<1024x8x128xf32, #tpu.memory_space<any>> -> memref<256x1x128xf32, #tpu.memory_space<any>>
    %dma_wait3A_442 = tpu.memref_squeeze %dma_wait3A_441 : memref<256x1x128xf32, #tpu.memory_space<any>> -> memref<256x128xf32, #tpu.memory_space<any>>
    %dma_wait3A_443 = arith.constant 0 : i32
    %dma_wait3A_444 = arith.constant 768 : i32
    %dma_wait3A_445 = tpu.memref_slice %arg4[%dma_wait3A_443, %dma_wait3A_444] : memref<256x1024xf32, #tpu.memory_space<vmem>> -> memref<256x128xf32, #tpu.memory_space<vmem>>
    tpu.wait_dma2 semaphore(%arg9 : memref<!tpu.dma_semaphore, #tpu.memory_space<semaphore_mem>>) src(%dma_wait3A_445 : memref<256x128xf32, #tpu.memory_space<vmem>>) dst(%dma_wait3A_442 : memref<256x128xf32, #tpu.memory_space<any>>)
    %dma_wait3A_446 = arith.constant 7 : i32
    %dma_wait3A_447 = arith.constant 256 : i32
    %dma_wait3A_448 = arith.constant 0 : i32
    %dma_wait3A_449 = tpu.memref_slice %arg1[%dma_wait3A_447, %dma_wait3A_446, %dma_wait3A_448] : memref<1024x8x128xf32, #tpu.memory_space<any>> -> memref<256x1x128xf32, #tpu.memory_space<any>>
    %dma_wait3A_450 = tpu.memref_squeeze %dma_wait3A_449 : memref<256x1x128xf32, #tpu.memory_space<any>> -> memref<256x128xf32, #tpu.memory_space<any>>
    %dma_wait3A_451 = arith.constant 0 : i32
    %dma_wait3A_452 = arith.constant 896 : i32
    %dma_wait3A_453 = tpu.memref_slice %arg4[%dma_wait3A_451, %dma_wait3A_452] : memref<256x1024xf32, #tpu.memory_space<vmem>> -> memref<256x128xf32, #tpu.memory_space<vmem>>
    tpu.wait_dma2 semaphore(%arg9 : memref<!tpu.dma_semaphore, #tpu.memory_space<semaphore_mem>>) src(%dma_wait3A_453 : memref<256x128xf32, #tpu.memory_space<vmem>>) dst(%dma_wait3A_450 : memref<256x128xf32, #tpu.memory_space<any>>)
    %dma_wait3A_454 = arith.constant 0 : i32
    %dma_wait3A_455 = arith.constant 512 : i32
    %dma_wait3A_456 = arith.constant 0 : i32
    %dma_wait3A_457 = tpu.memref_slice %arg1[%dma_wait3A_455, %dma_wait3A_454, %dma_wait3A_456] : memref<1024x8x128xf32, #tpu.memory_space<any>> -> memref<256x1x128xf32, #tpu.memory_space<any>>
    %dma_wait3A_458 = tpu.memref_squeeze %dma_wait3A_457 : memref<256x1x128xf32, #tpu.memory_space<any>> -> memref<256x128xf32, #tpu.memory_space<any>>
    %dma_wait3A_459 = arith.constant 0 : i32
    %dma_wait3A_460 = arith.constant 0 : i32
    %dma_wait3A_461 = tpu.memref_slice %arg5[%dma_wait3A_459, %dma_wait3A_460] : memref<256x1024xf32, #tpu.memory_space<vmem>> -> memref<256x128xf32, #tpu.memory_space<vmem>>
    tpu.wait_dma2 semaphore(%arg10 : memref<!tpu.dma_semaphore, #tpu.memory_space<semaphore_mem>>) src(%dma_wait3A_461 : memref<256x128xf32, #tpu.memory_space<vmem>>) dst(%dma_wait3A_458 : memref<256x128xf32, #tpu.memory_space<any>>)
    %dma_wait3A_462 = arith.constant 1 : i32
    %dma_wait3A_463 = arith.constant 512 : i32
    %dma_wait3A_464 = arith.constant 0 : i32
    %dma_wait3A_465 = tpu.memref_slice %arg1[%dma_wait3A_463, %dma_wait3A_462, %dma_wait3A_464] : memref<1024x8x128xf32, #tpu.memory_space<any>> -> memref<256x1x128xf32, #tpu.memory_space<any>>
    %dma_wait3A_466 = tpu.memref_squeeze %dma_wait3A_465 : memref<256x1x128xf32, #tpu.memory_space<any>> -> memref<256x128xf32, #tpu.memory_space<any>>
    %dma_wait3A_467 = arith.constant 0 : i32
    %dma_wait3A_468 = arith.constant 128 : i32
    %dma_wait3A_469 = tpu.memref_slice %arg5[%dma_wait3A_467, %dma_wait3A_468] : memref<256x1024xf32, #tpu.memory_space<vmem>> -> memref<256x128xf32, #tpu.memory_space<vmem>>
    tpu.wait_dma2 semaphore(%arg10 : memref<!tpu.dma_semaphore, #tpu.memory_space<semaphore_mem>>) src(%dma_wait3A_469 : memref<256x128xf32, #tpu.memory_space<vmem>>) dst(%dma_wait3A_466 : memref<256x128xf32, #tpu.memory_space<any>>)
    %dma_wait3A_470 = arith.constant 2 : i32
    %dma_wait3A_471 = arith.constant 512 : i32
    %dma_wait3A_472 = arith.constant 0 : i32
    %dma_wait3A_473 = tpu.memref_slice %arg1[%dma_wait3A_471, %dma_wait3A_470, %dma_wait3A_472] : memref<1024x8x128xf32, #tpu.memory_space<any>> -> memref<256x1x128xf32, #tpu.memory_space<any>>
    %dma_wait3A_474 = tpu.memref_squeeze %dma_wait3A_473 : memref<256x1x128xf32, #tpu.memory_space<any>> -> memref<256x128xf32, #tpu.memory_space<any>>
    %dma_wait3A_475 = arith.constant 0 : i32
    %dma_wait3A_476 = arith.constant 256 : i32
    %dma_wait3A_477 = tpu.memref_slice %arg5[%dma_wait3A_475, %dma_wait3A_476] : memref<256x1024xf32, #tpu.memory_space<vmem>> -> memref<256x128xf32, #tpu.memory_space<vmem>>
    tpu.wait_dma2 semaphore(%arg10 : memref<!tpu.dma_semaphore, #tpu.memory_space<semaphore_mem>>) src(%dma_wait3A_477 : memref<256x128xf32, #tpu.memory_space<vmem>>) dst(%dma_wait3A_474 : memref<256x128xf32, #tpu.memory_space<any>>)
    %dma_wait3A_478 = arith.constant 3 : i32
    %dma_wait3A_479 = arith.constant 512 : i32
    %dma_wait3A_480 = arith.constant 0 : i32
    %dma_wait3A_481 = tpu.memref_slice %arg1[%dma_wait3A_479, %dma_wait3A_478, %dma_wait3A_480] : memref<1024x8x128xf32, #tpu.memory_space<any>> -> memref<256x1x128xf32, #tpu.memory_space<any>>
    %dma_wait3A_482 = tpu.memref_squeeze %dma_wait3A_481 : memref<256x1x128xf32, #tpu.memory_space<any>> -> memref<256x128xf32, #tpu.memory_space<any>>
    %dma_wait3A_483 = arith.constant 0 : i32
    %dma_wait3A_484 = arith.constant 384 : i32
    %dma_wait3A_485 = tpu.memref_slice %arg5[%dma_wait3A_483, %dma_wait3A_484] : memref<256x1024xf32, #tpu.memory_space<vmem>> -> memref<256x128xf32, #tpu.memory_space<vmem>>
    tpu.wait_dma2 semaphore(%arg10 : memref<!tpu.dma_semaphore, #tpu.memory_space<semaphore_mem>>) src(%dma_wait3A_485 : memref<256x128xf32, #tpu.memory_space<vmem>>) dst(%dma_wait3A_482 : memref<256x128xf32, #tpu.memory_space<any>>)
    %dma_wait3A_486 = arith.constant 4 : i32
    %dma_wait3A_487 = arith.constant 512 : i32
    %dma_wait3A_488 = arith.constant 0 : i32
    %dma_wait3A_489 = tpu.memref_slice %arg1[%dma_wait3A_487, %dma_wait3A_486, %dma_wait3A_488] : memref<1024x8x128xf32, #tpu.memory_space<any>> -> memref<256x1x128xf32, #tpu.memory_space<any>>
    %dma_wait3A_490 = tpu.memref_squeeze %dma_wait3A_489 : memref<256x1x128xf32, #tpu.memory_space<any>> -> memref<256x128xf32, #tpu.memory_space<any>>
    %dma_wait3A_491 = arith.constant 0 : i32
    %dma_wait3A_492 = arith.constant 512 : i32
    %dma_wait3A_493 = tpu.memref_slice %arg5[%dma_wait3A_491, %dma_wait3A_492] : memref<256x1024xf32, #tpu.memory_space<vmem>> -> memref<256x128xf32, #tpu.memory_space<vmem>>
    tpu.wait_dma2 semaphore(%arg10 : memref<!tpu.dma_semaphore, #tpu.memory_space<semaphore_mem>>) src(%dma_wait3A_493 : memref<256x128xf32, #tpu.memory_space<vmem>>) dst(%dma_wait3A_490 : memref<256x128xf32, #tpu.memory_space<any>>)
    %dma_wait3A_494 = arith.constant 5 : i32
    %dma_wait3A_495 = arith.constant 512 : i32
    %dma_wait3A_496 = arith.constant 0 : i32
    %dma_wait3A_497 = tpu.memref_slice %arg1[%dma_wait3A_495, %dma_wait3A_494, %dma_wait3A_496] : memref<1024x8x128xf32, #tpu.memory_space<any>> -> memref<256x1x128xf32, #tpu.memory_space<any>>
    %dma_wait3A_498 = tpu.memref_squeeze %dma_wait3A_497 : memref<256x1x128xf32, #tpu.memory_space<any>> -> memref<256x128xf32, #tpu.memory_space<any>>
    %dma_wait3A_499 = arith.constant 0 : i32
    %dma_wait3A_500 = arith.constant 640 : i32
    %dma_wait3A_501 = tpu.memref_slice %arg5[%dma_wait3A_499, %dma_wait3A_500] : memref<256x1024xf32, #tpu.memory_space<vmem>> -> memref<256x128xf32, #tpu.memory_space<vmem>>
    tpu.wait_dma2 semaphore(%arg10 : memref<!tpu.dma_semaphore, #tpu.memory_space<semaphore_mem>>) src(%dma_wait3A_501 : memref<256x128xf32, #tpu.memory_space<vmem>>) dst(%dma_wait3A_498 : memref<256x128xf32, #tpu.memory_space<any>>)
    %dma_wait3A_502 = arith.constant 6 : i32
    %dma_wait3A_503 = arith.constant 512 : i32
    %dma_wait3A_504 = arith.constant 0 : i32
    %dma_wait3A_505 = tpu.memref_slice %arg1[%dma_wait3A_503, %dma_wait3A_502, %dma_wait3A_504] : memref<1024x8x128xf32, #tpu.memory_space<any>> -> memref<256x1x128xf32, #tpu.memory_space<any>>
    %dma_wait3A_506 = tpu.memref_squeeze %dma_wait3A_505 : memref<256x1x128xf32, #tpu.memory_space<any>> -> memref<256x128xf32, #tpu.memory_space<any>>
    %dma_wait3A_507 = arith.constant 0 : i32
    %dma_wait3A_508 = arith.constant 768 : i32
    %dma_wait3A_509 = tpu.memref_slice %arg5[%dma_wait3A_507, %dma_wait3A_508] : memref<256x1024xf32, #tpu.memory_space<vmem>> -> memref<256x128xf32, #tpu.memory_space<vmem>>
    tpu.wait_dma2 semaphore(%arg10 : memref<!tpu.dma_semaphore, #tpu.memory_space<semaphore_mem>>) src(%dma_wait3A_509 : memref<256x128xf32, #tpu.memory_space<vmem>>) dst(%dma_wait3A_506 : memref<256x128xf32, #tpu.memory_space<any>>)
    %dma_wait3A_510 = arith.constant 7 : i32
    %dma_wait3A_511 = arith.constant 512 : i32
    %dma_wait3A_512 = arith.constant 0 : i32
    %dma_wait3A_513 = tpu.memref_slice %arg1[%dma_wait3A_511, %dma_wait3A_510, %dma_wait3A_512] : memref<1024x8x128xf32, #tpu.memory_space<any>> -> memref<256x1x128xf32, #tpu.memory_space<any>>
    %dma_wait3A_514 = tpu.memref_squeeze %dma_wait3A_513 : memref<256x1x128xf32, #tpu.memory_space<any>> -> memref<256x128xf32, #tpu.memory_space<any>>
    %dma_wait3A_515 = arith.constant 0 : i32
    %dma_wait3A_516 = arith.constant 896 : i32
    %dma_wait3A_517 = tpu.memref_slice %arg5[%dma_wait3A_515, %dma_wait3A_516] : memref<256x1024xf32, #tpu.memory_space<vmem>> -> memref<256x128xf32, #tpu.memory_space<vmem>>
    tpu.wait_dma2 semaphore(%arg10 : memref<!tpu.dma_semaphore, #tpu.memory_space<semaphore_mem>>) src(%dma_wait3A_517 : memref<256x128xf32, #tpu.memory_space<vmem>>) dst(%dma_wait3A_514 : memref<256x128xf32, #tpu.memory_space<any>>)
    %dma_wait3A_518 = arith.constant 0 : i32
    %dma_wait3A_519 = arith.constant 768 : i32
    %dma_wait3A_520 = arith.constant 0 : i32
    %dma_wait3A_521 = tpu.memref_slice %arg1[%dma_wait3A_519, %dma_wait3A_518, %dma_wait3A_520] : memref<1024x8x128xf32, #tpu.memory_space<any>> -> memref<256x1x128xf32, #tpu.memory_space<any>>
    %dma_wait3A_522 = tpu.memref_squeeze %dma_wait3A_521 : memref<256x1x128xf32, #tpu.memory_space<any>> -> memref<256x128xf32, #tpu.memory_space<any>>
    %dma_wait3A_523 = arith.constant 0 : i32
    %dma_wait3A_524 = arith.constant 0 : i32
    %dma_wait3A_525 = tpu.memref_slice %arg6[%dma_wait3A_523, %dma_wait3A_524] : memref<256x1024xf32, #tpu.memory_space<vmem>> -> memref<256x128xf32, #tpu.memory_space<vmem>>
    tpu.wait_dma2 semaphore(%arg11 : memref<!tpu.dma_semaphore, #tpu.memory_space<semaphore_mem>>) src(%dma_wait3A_525 : memref<256x128xf32, #tpu.memory_space<vmem>>) dst(%dma_wait3A_522 : memref<256x128xf32, #tpu.memory_space<any>>)
    %dma_wait3A_526 = arith.constant 1 : i32
    %dma_wait3A_527 = arith.constant 768 : i32
    %dma_wait3A_528 = arith.constant 0 : i32
    %dma_wait3A_529 = tpu.memref_slice %arg1[%dma_wait3A_527, %dma_wait3A_526, %dma_wait3A_528] : memref<1024x8x128xf32, #tpu.memory_space<any>> -> memref<256x1x128xf32, #tpu.memory_space<any>>
    %dma_wait3A_530 = tpu.memref_squeeze %dma_wait3A_529 : memref<256x1x128xf32, #tpu.memory_space<any>> -> memref<256x128xf32, #tpu.memory_space<any>>
    %dma_wait3A_531 = arith.constant 0 : i32
    %dma_wait3A_532 = arith.constant 128 : i32
    %dma_wait3A_533 = tpu.memref_slice %arg6[%dma_wait3A_531, %dma_wait3A_532] : memref<256x1024xf32, #tpu.memory_space<vmem>> -> memref<256x128xf32, #tpu.memory_space<vmem>>
    tpu.wait_dma2 semaphore(%arg11 : memref<!tpu.dma_semaphore, #tpu.memory_space<semaphore_mem>>) src(%dma_wait3A_533 : memref<256x128xf32, #tpu.memory_space<vmem>>) dst(%dma_wait3A_530 : memref<256x128xf32, #tpu.memory_space<any>>)
    %dma_wait3A_534 = arith.constant 2 : i32
    %dma_wait3A_535 = arith.constant 768 : i32
    %dma_wait3A_536 = arith.constant 0 : i32
    %dma_wait3A_537 = tpu.memref_slice %arg1[%dma_wait3A_535, %dma_wait3A_534, %dma_wait3A_536] : memref<1024x8x128xf32, #tpu.memory_space<any>> -> memref<256x1x128xf32, #tpu.memory_space<any>>
    %dma_wait3A_538 = tpu.memref_squeeze %dma_wait3A_537 : memref<256x1x128xf32, #tpu.memory_space<any>> -> memref<256x128xf32, #tpu.memory_space<any>>
    %dma_wait3A_539 = arith.constant 0 : i32
    %dma_wait3A_540 = arith.constant 256 : i32
    %dma_wait3A_541 = tpu.memref_slice %arg6[%dma_wait3A_539, %dma_wait3A_540] : memref<256x1024xf32, #tpu.memory_space<vmem>> -> memref<256x128xf32, #tpu.memory_space<vmem>>
    tpu.wait_dma2 semaphore(%arg11 : memref<!tpu.dma_semaphore, #tpu.memory_space<semaphore_mem>>) src(%dma_wait3A_541 : memref<256x128xf32, #tpu.memory_space<vmem>>) dst(%dma_wait3A_538 : memref<256x128xf32, #tpu.memory_space<any>>)
    %dma_wait3A_542 = arith.constant 3 : i32
    %dma_wait3A_543 = arith.constant 768 : i32
    %dma_wait3A_544 = arith.constant 0 : i32
    %dma_wait3A_545 = tpu.memref_slice %arg1[%dma_wait3A_543, %dma_wait3A_542, %dma_wait3A_544] : memref<1024x8x128xf32, #tpu.memory_space<any>> -> memref<256x1x128xf32, #tpu.memory_space<any>>
    %dma_wait3A_546 = tpu.memref_squeeze %dma_wait3A_545 : memref<256x1x128xf32, #tpu.memory_space<any>> -> memref<256x128xf32, #tpu.memory_space<any>>
    %dma_wait3A_547 = arith.constant 0 : i32
    %dma_wait3A_548 = arith.constant 384 : i32
    %dma_wait3A_549 = tpu.memref_slice %arg6[%dma_wait3A_547, %dma_wait3A_548] : memref<256x1024xf32, #tpu.memory_space<vmem>> -> memref<256x128xf32, #tpu.memory_space<vmem>>
    tpu.wait_dma2 semaphore(%arg11 : memref<!tpu.dma_semaphore, #tpu.memory_space<semaphore_mem>>) src(%dma_wait3A_549 : memref<256x128xf32, #tpu.memory_space<vmem>>) dst(%dma_wait3A_546 : memref<256x128xf32, #tpu.memory_space<any>>)
    %dma_wait3A_550 = arith.constant 4 : i32
    %dma_wait3A_551 = arith.constant 768 : i32
    %dma_wait3A_552 = arith.constant 0 : i32
    %dma_wait3A_553 = tpu.memref_slice %arg1[%dma_wait3A_551, %dma_wait3A_550, %dma_wait3A_552] : memref<1024x8x128xf32, #tpu.memory_space<any>> -> memref<256x1x128xf32, #tpu.memory_space<any>>
    %dma_wait3A_554 = tpu.memref_squeeze %dma_wait3A_553 : memref<256x1x128xf32, #tpu.memory_space<any>> -> memref<256x128xf32, #tpu.memory_space<any>>
    %dma_wait3A_555 = arith.constant 0 : i32
    %dma_wait3A_556 = arith.constant 512 : i32
    %dma_wait3A_557 = tpu.memref_slice %arg6[%dma_wait3A_555, %dma_wait3A_556] : memref<256x1024xf32, #tpu.memory_space<vmem>> -> memref<256x128xf32, #tpu.memory_space<vmem>>
    tpu.wait_dma2 semaphore(%arg11 : memref<!tpu.dma_semaphore, #tpu.memory_space<semaphore_mem>>) src(%dma_wait3A_557 : memref<256x128xf32, #tpu.memory_space<vmem>>) dst(%dma_wait3A_554 : memref<256x128xf32, #tpu.memory_space<any>>)
    %dma_wait3A_558 = arith.constant 5 : i32
    %dma_wait3A_559 = arith.constant 768 : i32
    %dma_wait3A_560 = arith.constant 0 : i32
    %dma_wait3A_561 = tpu.memref_slice %arg1[%dma_wait3A_559, %dma_wait3A_558, %dma_wait3A_560] : memref<1024x8x128xf32, #tpu.memory_space<any>> -> memref<256x1x128xf32, #tpu.memory_space<any>>
    %dma_wait3A_562 = tpu.memref_squeeze %dma_wait3A_561 : memref<256x1x128xf32, #tpu.memory_space<any>> -> memref<256x128xf32, #tpu.memory_space<any>>
    %dma_wait3A_563 = arith.constant 0 : i32
    %dma_wait3A_564 = arith.constant 640 : i32
    %dma_wait3A_565 = tpu.memref_slice %arg6[%dma_wait3A_563, %dma_wait3A_564] : memref<256x1024xf32, #tpu.memory_space<vmem>> -> memref<256x128xf32, #tpu.memory_space<vmem>>
    tpu.wait_dma2 semaphore(%arg11 : memref<!tpu.dma_semaphore, #tpu.memory_space<semaphore_mem>>) src(%dma_wait3A_565 : memref<256x128xf32, #tpu.memory_space<vmem>>) dst(%dma_wait3A_562 : memref<256x128xf32, #tpu.memory_space<any>>)
    %dma_wait3A_566 = arith.constant 6 : i32
    %dma_wait3A_567 = arith.constant 768 : i32
    %dma_wait3A_568 = arith.constant 0 : i32
    %dma_wait3A_569 = tpu.memref_slice %arg1[%dma_wait3A_567, %dma_wait3A_566, %dma_wait3A_568] : memref<1024x8x128xf32, #tpu.memory_space<any>> -> memref<256x1x128xf32, #tpu.memory_space<any>>
    %dma_wait3A_570 = tpu.memref_squeeze %dma_wait3A_569 : memref<256x1x128xf32, #tpu.memory_space<any>> -> memref<256x128xf32, #tpu.memory_space<any>>
    %dma_wait3A_571 = arith.constant 0 : i32
    %dma_wait3A_572 = arith.constant 768 : i32
    %dma_wait3A_573 = tpu.memref_slice %arg6[%dma_wait3A_571, %dma_wait3A_572] : memref<256x1024xf32, #tpu.memory_space<vmem>> -> memref<256x128xf32, #tpu.memory_space<vmem>>
    tpu.wait_dma2 semaphore(%arg11 : memref<!tpu.dma_semaphore, #tpu.memory_space<semaphore_mem>>) src(%dma_wait3A_573 : memref<256x128xf32, #tpu.memory_space<vmem>>) dst(%dma_wait3A_570 : memref<256x128xf32, #tpu.memory_space<any>>)
    %dma_wait3A_574 = arith.constant 7 : i32
    %dma_wait3A_575 = arith.constant 768 : i32
    %dma_wait3A_576 = arith.constant 0 : i32
    %dma_wait3A_577 = tpu.memref_slice %arg1[%dma_wait3A_575, %dma_wait3A_574, %dma_wait3A_576] : memref<1024x8x128xf32, #tpu.memory_space<any>> -> memref<256x1x128xf32, #tpu.memory_space<any>>
    %dma_wait3A_578 = tpu.memref_squeeze %dma_wait3A_577 : memref<256x1x128xf32, #tpu.memory_space<any>> -> memref<256x128xf32, #tpu.memory_space<any>>
    %dma_wait3A_579 = arith.constant 0 : i32
    %dma_wait3A_580 = arith.constant 896 : i32
    %dma_wait3A_581 = tpu.memref_slice %arg6[%dma_wait3A_579, %dma_wait3A_580] : memref<256x1024xf32, #tpu.memory_space<vmem>> -> memref<256x128xf32, #tpu.memory_space<vmem>>
    tpu.wait_dma2 semaphore(%arg11 : memref<!tpu.dma_semaphore, #tpu.memory_space<semaphore_mem>>) src(%dma_wait3A_581 : memref<256x128xf32, #tpu.memory_space<vmem>>) dst(%dma_wait3A_578 : memref<256x128xf32, #tpu.memory_space<any>>)
    %log3A = math.log %add3A_325 : f32
    %add3A_582 = arith.constant 1.200000e+01 : f32
    %add3A_583 = arith.addf %add3A_582, %log3A : f32
    %broadcast_in_dim3A = vector.broadcast %add3A_583 : f32 to vector<8x128xf32>
    %swap3A = arith.constant 0 : index
    %swap3A_584 = arith.constant 0 : index
    %swap3A_585 = vector.load %arg2[%swap3A, %swap3A_584] : memref<8x128xf32, #tpu.memory_space<vmem>>, vector<8x128xf32>
    tpu.vector_store %arg2[%swap3A, %swap3A_584], %broadcast_in_dim3A {strides = array<i32>} : memref<8x128xf32, #tpu.memory_space<vmem>>, vector<8x128xf32>,
    return
  }
}

</mosaic_0001>

<sc_bundles>
// kernel: kernel.4.cloned.1.call-start
scs
__scs_entry_jumppad:
0x0: {  	(pc) =	sbr.rel $0x88, $3  }
0x1: {  	(tag) =	ssettag $0x0;
	lr =	simm.s32 $0x1  }
0x2: {  	[smem:$0x3F9E] =	sst lr;
	_ =	strace $0xD0000000  }
0x3: {  	_ = 	snop  }
0x4: {  	_ = 	snop  }
0x5: {  	_ = 	snop  }
0x6: {  	_ = 	snop  }
0x7: {  	_ = 	snop  }
__scs_overlays_trampoline_lowered:
0x8: {  	[smem:$0x3FAD] =	sst s0  }
0x9: {  	[smem:$0x3FAE] =	sst s1  }
0xa: {  	[smem:$0x3FAF] =	sst s2  }
0xb: {  	[smem:$0x3FB0] =	sst s3  }
0xc: {  	[smem:$0x3FB1] =	sst s4  }
0xd: {  	[smem:$0x3FB2] =	sst s5  }
0xe: {  	[smem:$0x3FB3] =	sst s6  }
0xf: {  	[smem:$0x3FB4] =	sst s7  }
0x10: {  	[smem:$0x3FB5] =	sst s8  }
0x11: {  	[smem:$0x3FB6] =	sst s9;
	s0 =	simm.s32 @!p0 $0x0  }
0x12: {  	s1 =	sld [smem:$0x3F9C];
	s0 =	simm.s32 @p0 $0x1  }
0x13: {  	[smem:$0x3FB7] =	sst s0;
	s0 =	simm.s32 @!p1 $0x0  }
0x14: {  	s2 =	sld [smem:$0x3F9B];
	s0 =	simm.s32 @p1 $0x1  }
0x15: {  	[smem:$0x3FB8] =	sst s0;
	s0 =	simm.s32 @!p2 $0x0  }
0x16: {  	s3 =	sld [smem:$0x3FDB];
	s0 =	simm.s32 @p2 $0x1  }
0x17: {  	s4 =	simm.s32 $0x1BF5;
	[smem:$0x3FBA] =	sst s0  }
0x18: {  	s0 =	sld [smem:$0x3F9D];
	_ =	swait.ge [sflag:s4], $0x0  }
0x19: {  	s7 =	sld [smem:$0x3F9E]  }
0x1a: {  	s8 =	sadd.s32 $0xFFFFE003, lr  }
0x1b: {  	s9 =	sadd.s32 $0xFFFFFEF7, lr;
	s5 =	simm.s32 $0xFFFFFFFF;
	p2 =	slt.u32 s8, $0xFFFFF086  }
0x1c: {  	p1 =	slt.u32 s9, $0xF7A;
	s5 =	simm.s32 @!p2 $0x0  }
0x1d: {  	s5 =	simm.s32 @p1 $0x1;
	p0 =	seq.s32 s7, s2  }
0x1e: {  	s7 =	smul.u32 @!p0 $0xF7A, s2;
	p2 =	seq.s32 @!p0 s5, $0x0  }
0x1f: {  	s9 =	smul.u32 $0xF7A, s1;
	s8 =	simm.s32 @!p0 $0x1BF5;
	p2 =	por !p2, p0  }
0x20: {  	[sflag:s8] =	ssyncset.s32 @!p0 $0xFFFFF086;
	s6 =	sadd.s32 @!p0 s3, s7;
	s7 =	simm.s32 @!p0 $0x108  }
0x21: {  	s3 =	sadd.s32 s3, s9;
	s6 =	sadd.s32 @!p0 $0x88, s6;
	s7 =	simm.s32 @p2 $0x1082  }
0x22: {  	[simem:s7], [sflag:s8] =	dma.local @!p0 [hbm:s6], $0xF7A  }
0x23: {  	s9 =	sor.u32 $0xD0000000, s2;
	s6 =	simm.s32 $0x108;
	_ =	swait.ge @!p0 [sflag:s8], $0x0  }
0x24: {  	s3 =	sadd.s32 $0x88, s3;
	s6 =	simm.s32 @!p1 $0x1082;
	[sflag:s4] =	ssyncset.s32 $0xFFFFF086  }
0x25: {  	[simem:s6], [sflag:s4] =	dma.local [hbm:s3], $0xF7A  }
0x26: {  	[smem:$0x3F9E] =	sst s1;
	(tag) =	ssettag s2;
	_ =	strace s9  }
0x27: {  	s1 =	sld [smem:$0x3FAE]  }
0x28: {  	s2 =	sld [smem:$0x3FAF]  }
0x29: {  	s4 =	sld [smem:$0x3FB1]  }
0x2a: {  	p0 =	seq.s32 s5, $0x0;
	s5 =	sld [smem:$0x3FB2]  }
0x2b: {  	s6 =	sld [smem:$0x3FB3]  }
0x2c: {  	s7 =	sld [smem:$0x3FB4]  }
0x2d: {  	s3 =	simm.s32 $0x108;
	s8 =	sld [smem:$0x3FB5]  }
0x2e: {  	s3 =	simm.s32 @!p0 $0x1082;
	s9 =	sld [smem:$0x3FB6]  }
0x2f: {  	lr =	sadd.s32 s0, s3;
	s0 =	sld [smem:$0x3FAD]  }
0x30: {  	s3 =	sld [smem:$0x3FB0]  }
0x31: {  	[smem:$0x3FB9] =	sst s10  }
0x32: {  	s10 =	sld [smem:$0x3FB7];
	_ =	sdelay $0x3  }
0x33: {  	p0 =	seq.s32 s10, $0x1;
	s10 =	sld [smem:$0x3FB9];
	_ =	sdelay $0x3  }
0x34: {  	[smem:$0x3FB9] =	sst s10  }
0x35: {  	s10 =	sld [smem:$0x3FB8];
	_ =	sdelay $0x3  }
0x36: {  	p1 =	seq.s32 s10, $0x1;
	s10 =	sld [smem:$0x3FB9];
	_ =	sdelay $0x3  }
0x37: {  	[smem:$0x3FB9] =	sst s10  }
0x38: {  	s10 =	sld [smem:$0x3FBA]  }
0x39: {  	_ = 	snop;
	(pc) =	sbr.ind lr, $3  }
0x3a: {  	_ = 	snop  }
0x3b: {  	_ = 	snop  }
0x3c: {  	p2 =	seq.s32 s10, $0x1;
	s10 =	sld [smem:$0x3FB9]  }
0x3d: {  	_ =	shalt  }
0x3e: {  	_ =	shalt  }
0x3f: {  	_ =	shalt  }
0x40: {  	_ =	shalt  }
0x41: {  	_ =	shalt  }
0x42: {  	_ =	shalt  }
0x43: {  	_ =	shalt  }
0x44: {  	_ =	shalt  }
0x45: {  	_ =	shalt  }
0x46: {  	_ =	shalt  }
0x47: {  	_ =	shalt  }
0x48: {  	_ =	shalt  }
0x49: {  	_ =	shalt  }
0x4a: {  	_ =	shalt  }
0x4b: {  	_ =	shalt  }
0x4c: {  	_ =	shalt  }
0x4d: {  	_ =	shalt  }
0x4e: {  	_ =	shalt  }
0x4f: {  	_ =	shalt  }
0x50: {  	_ =	shalt  }
0x51: {  	_ =	shalt  }
0x52: {  	_ =	shalt  }
0x53: {  	_ =	shalt  }
0x54: {  	_ =	shalt  }
0x55: {  	_ =	shalt  }
0x56: {  	_ =	shalt  }
0x57: {  	_ =	shalt  }
0x58: {  	_ =	shalt  }
0x59: {  	_ =	shalt  }
0x5a: {  	_ =	shalt  }
0x5b: {  	_ =	shalt  }
0x5c: {  	_ =	shalt  }
0x5d: {  	_ =	shalt  }
0x5e: {  	_ =	shalt  }
0x5f: {  	_ =	shalt  }
0x60: {  	_ =	shalt  }
0x61: {  	_ =	shalt  }
0x62: {  	_ =	shalt  }
0x63: {  	_ =	shalt  }
0x64: {  	_ =	shalt  }
0x65: {  	_ =	shalt  }
0x66: {  	_ =	shalt  }
0x67: {  	_ =	shalt  }
0x68: {  	_ =	shalt  }
0x69: {  	_ =	shalt  }
0x6a: {  	_ =	shalt  }
0x6b: {  	_ =	shalt  }
0x6c: {  	_ =	shalt  }
0x6d: {  	_ =	shalt  }
0x6e: {  	_ =	shalt  }
0x6f: {  	_ =	shalt  }
0x70: {  	_ =	shalt  }
0x71: {  	_ =	shalt  }
0x72: {  	_ =	shalt  }
0x73: {  	_ =	shalt  }
0x74: {  	_ =	shalt  }
0x75: {  	_ =	shalt  }
0x76: {  	_ =	shalt  }
0x77: {  	_ =	shalt  }
0x78: {  	_ =	shalt  }
0x79: {  	_ =	shalt  }
0x7a: {  	_ =	shalt  }
0x7b: {  	_ =	shalt  }
0x7c: {  	_ =	shalt  }
0x7d: {  	_ =	shalt  }
0x7e: {  	_ =	shalt  }
0x7f: {  	_ =	shalt  }
0x80: {  	_ =	shalt  }
0x81: {  	_ =	shalt  }
0x82: {  	_ =	shalt  }
0x83: {  	_ =	shalt  }
0x84: {  	_ =	shalt  }
0x85: {  	_ =	shalt  }
0x86: {  	_ =	shalt  }
0x87: {  	_ =	shalt  }
.Lfunc_end0:
.L_simem_size_0:
called_computation_lowered:
.L_overlay_start_0:
0x88: {  	s2 =	sld [smem:$0x3FD9]  }
0x89: {  	s3 =	sld [smem:$0x3FFE];
	_ =	sdelay $0x1  }
0x8a: {  	s1 =	srdreg.scid  }
0x8b: {  	s0 =	sand.u32 $0x1, s1  }
0x8c: {  	s17 =	sshll.u32 s0, $0xA;
	s2 =	sadd.s32 s3, s2  }
0x8d: {  	s2 =	sadd.s32 s2, s17  }
0x8e: {  	[smem:$0x3FC5] =	sst s2  }
0x8f: {  	_ = 	snop  }
0x90: {  	s2 =	sld [smem:$0x3FC9]  }
0x91: {  	s18 =	sld [smem:$0x3FC8]  }
0x92: {  	s4 =	sld [smem:$0x3FD0];
	(tm) =	ssettm $0x1  }
0x93: {  	s5 =	sld [smem:$0x3FFB];
	_ =	sdelay $0x3  }
0x94: {  	_ =	strace s5  }
0x95: {  	s5 =	sld [smem:$0x3FFC];
	_ =	sdelay $0x3  }
0x96: {  	_ =	strace s5  }
0x97: {  	s5 =	sld [smem:$0x3FFD];
	_ =	sdelay $0x3  }
0x98: {  	_ =	strace s5  }
0x99: {  	_ =	strace $0x8FFFFFFF  }
0x9a: {  	s19 =	sld [smem:$0x3FDB];
	_ =	sdelay $0x1  }
0x9b: {  	s6 =	simm.s32 $_scs_section_size  }
0x9c: {  	s7 =	simm.s32 $_size__tile_overlayer_lowered;
	s8 =	simm.s32 $_tile_overlayer_lowered  }
0x9d: {  	s22 =	simm.s32 $0x1BFF;
	s21 =	sshll.u32 s8, $0x1;
	s5 =	sadd.s32 s6, s19  }
0x9e: {  	s9 =	simm.s32 $0x0;
	s20 =	sshll.u32 s7, $0x1;
	s7 =	sadd.s32 s21, s5  }
0x9f: {  	[timem:s9], [sflag:s22] =	dma.local [hbm:s7], s20  }
0xa0: {  	_ =	swait.ge [sflag:s22], s20  }
0xa1: {  	s6 =	ssub.s32 $0x0, s20;
	[sflag:s22] =	ssyncset.done $0x0  }
0xa2: {  	[sflag:s22] =	ssyncadd.s32 s6;
	_ =	sdelay $0x1  }
0xa3: {  	s23 =	simm.s32 $0x1B8B  }
0xa4: {  	_ =	swait.ge [sflag:s23], $0x1  }
0xa5: {  	[sflag:s23] =	ssyncset.done $0x0  }
0xa6: {  	s25 =	simm.s32 $0x1B8E;
	s24 =	sld [smem:$0x3FFE];
	[sflag:s23] =	ssyncadd.s32 $0xFFFFFFFF  }
0xa7: {  	s26 =	simm.s32 $execute0_lowered;
	[smem:$0x3FD2] =	sst s25  }
0xa8: {  	s7 =	sshll.u32 s26, $0x1;
	_ =	strace $0x80000046;
	[dreg:$0x1] =	wrdreg $0xFFFFFFFF  }
0xa9: {  	s28 =	simm.s32 $_size_execute0_lowered;
	s5 =	sadd.s32 s5, s7;
	[dreg:$0x0] =	wrdreg $0x0  }
0xaa: {  	s7 =	sshll.u32 s28, $0x1;
	[dreg:$0x2] =	wrdreg s5  }
0xab: {  	[dreg:$0x3] =	wrdreg s7  }
0xac: {  	[dreg:$0x4] =	wrdreg $0xC0  }
0xad: {  	_ =	task [dreg:s9], $0x5FFFF  }
0xae: {  	[dreg:$0x1] =	wrdreg $0xFFFFFFFF  }
0xaf: {  	[dreg:$0x0] =	wrdreg $0x60  }
0xb0: {  	[dreg:$0x2] =	wrdreg s24  }
0xb1: {  	[dreg:$0x3] =	wrdreg s2  }
0xb2: {  	[dreg:$0x4] =	wrdreg s18  }
0xb3: {  	[dreg:$0x5] =	wrdreg s4  }
0xb4: {  	[dreg:$0x6] =	wrdreg $0x9  }
0xb5: {  	_ =	task.clear_ibuf [dreg:s9], $0x7FFFF;
	_ =	strace $0x90000046  }
0xb6: {  	s29 =	simm.s32 $0x9;
	_ =	strace $0x80000048  }
0xb7: {  	_ =	swait.ge [sflag:s29], $0x1  }
0xb8: {  	[sflag:s29] =	ssyncadd.s32 $0xFFFFFFFF  }
0xb9: {  	_ =	strace $0x90000048  }
0xba: {  	_ =	sfence  }
0xbb: {  	s30 =	sld [smem:$0x0];
	_ =	sdelay $0x2  }
0xbc: {  	s31 =	sshll.u32 s1, $0xD;
	s1 =	sshrl.u32 s1, $0x2  }
0xbd: {  	s3 =	sand.u32 $0x4000, s31;
	s1 =	sadd.s32 s1, s30  }
0xbe: {  	s0 =	sor.u32 s3, s0;
	s1 =	sshll.u32 s1, $0x11  }
0xbf: {  	s0 =	sor.u32 s1, s0  }
0xc0: {  	s0 =	sadd.s32 $0x8F2B, s0  }
0xc1: {  	[sflag:s0] =	ssyncadd.remote.s32 $0x1  }
0xc2: {  	_ =	sfence.sel $0xFFFF  }
0xc3: {  	[dreg:$0x0] =	wrdreg $0xFFFFFFFF;
	(pc) =	sbr.abs _section_cstart, $3  }
0xc4: {  	[dreg:$0x1] =	wrdreg $0xFFFFFFFF  }
0xc5: {  	_ =	task.clear_ibuf [dreg:s9], $0x2FFFF;
	_ =	strace $0x9FFFFFFF  }
0xc6: {  	(tm) =	ssettm $0x7FFFFFFF  }
0xc7: {  	_ =	shalt  }
tec
execute0_lowered:
.L_overlay_start_1:
0x0: {  	(tag) =	ssettag $0x1  }
0x1: {  	s4 =	rddreg [dreg:$0x0]  }
0x2: {  	s5 =	rddreg [dreg:$0x1]  }
0x3: {  	s6 =	rddreg [dreg:$0x2]  }
0x4: {  	s7 =	rddreg [dreg:$0x3]  }
0x5: {  	s0 =	rddreg [dreg:$0x4];
	s1 =	simm.s32 $0x0;
	s2 =	srdreg.scid  }
0x6: {  	s12 =	simm.s32 $0x80;
	s13 =	simm.s32 $0x400;
	s14 =	simm.s32 $0x600  }
0x7: {  	s15 =	simm.s32 $0x480;
	s16 =	simm.s32 $0x680;
	s17 =	simm.s32 $0x500  }
0x8: {  	s18 =	simm.s32 $0x700;
	s19 =	simm.s32 $0x580;
	s20 =	simm.s32 $0x780  }
0x9: {  	s21 =	simm.s32 $0x2;
	s22 =	simm.s32 $0x3;
	[smem:$0x7FF] =	sst s1  }
0xa: {  	s8 =	sand.u32 $0x1, s2;
	s3 =	sadd.s32 $0xC00, s4;
	s2 =	stileid.u32  }
0xb: {  	s4 =	sadd.s32 $0x20C00, s4;
	_ =	strace $0x80000047;
	s9 =	ssub.s32 $0x2, s8  }
0xc: {  	s11 =	sshll.u32 s2, $0x7;
	s8 =	sshll.u32 s8, $0x6;
	s10 =	sshrl.u32 s9, $0x1  }
0xd: {  	s8 =	sor.u32 s8, s11;
	s11 =	simm.s32 $0x1;
	s9 =	ssub.s32 s9, s10  }
0xe: {  	s5 =	sadd.s32 s5, s8;
	s6 =	sadd.s32 s6, s8;
	s7 =	sadd.s32 s7, s8  }
0xf: {  	s10 =	simm.s32 $0x800;
	s8 =	smax.u32 s9, $0x1;
	s9 =	simm.s32 $0x200  }
.LBB2_1:
0x10: {  	[tilespmem:s1], [sflag:$0x1] =	stream.linear.gather [hbm4b:s5+s1], $0x200, $0x38;
	[tilespmem:$0x880] =	vst v63  }
0x11: {  	_ = 	snop  }
0x12: {  	[tilespmem:s9], [sflag:$0x1] =	stream.linear.gather [hbm4b:s6+s1], $0x200, $0x38;
	[tilespmem:$0x880] =	vst v63  }
0x13: {  	_ = 	snop  }
0x14: {  	[tilespmem:s10], [sflag:$0x1] =	stream.linear.gather [hbm4b:s4+s1], $0x10, $0x38;
	[tilespmem:$0x880] =	vst v63  }
0x15: {  	_ =	swait.ge [sflag:s11], $0x200  }
0x16: {  	[sflag:s11] =	ssyncset.done $0x0  }
0x17: {  	[sflag:s11] =	ssyncadd.s32 $0xFFFFFE00  }
0x18: {  	_ =	swait.ge [sflag:s11], $0x200  }
0x19: {  	[sflag:s11] =	ssyncset.done $0x0  }
0x1a: {  	[sflag:s11] =	ssyncadd.s32 $0xFFFFFE00  }
0x1b: {  	v0 =	vld [tilespmem:$0x0]  }
0x1c: {  	v1 =	vld [tilespmem:$0x200]  }
0x1d: {  	v2 =	vld [tilespmem:$0x10]  }
0x1e: {  	v3 =	vld [tilespmem:$0x210]  }
0x1f: {  	v4 =	vld [tilespmem:$0x20]  }
0x20: {  	v5 =	vld [tilespmem:$0x220]  }
0x21: {  	v6 =	vld [tilespmem:$0x30]  }
0x22: {  	v7 =	vld [tilespmem:$0x230]  }
0x23: {  	v8 =	vld [tilespmem:$0x40]  }
0x24: {  	v9 =	vld [tilespmem:$0x240]  }
0x25: {  	v10 =	vld [tilespmem:$0x50]  }
0x26: {  	v11 =	vld [tilespmem:$0x250]  }
0x27: {  	v12 =	vld [tilespmem:$0x60];
	v0 =	vshll.u32 v0, $0xA  }
0x28: {  	v57 =	vld [tilespmem:$0x260];
	v56 =	vshll.u32 v2, $0xA;
	v0 =	vadd.s32 v1, v0  }
0x29: {  	v60 =	vld [tilespmem:$0x70];
	v59 =	vshll.u32 v4, $0xA;
	v58 =	vadd.s32 v3, v56;
	[tilespmem:$0x400] =	vst v0  }
0x2a: {  	v63 =	vld [tilespmem:$0x270];
	v62 =	vshll.u32 v6, $0xA;
	v61 =	vadd.s32 v5, v59;
	[tilespmem:$0x410] =	vst v58  }
0x2b: {  	v8 =	vshll.u32 v8, $0xA;
	v7 =	vadd.s32 v7, v62;
	[tilespmem:$0x420] =	vst v61  }
0x2c: {  	v13 =	vshll.u32 v10, $0xA;
	v9 =	vadd.s32 v9, v8;
	[tilespmem:$0x430] =	vst v7  }
0x2d: {  	v15 =	vshll.u32 v12, $0xA;
	v14 =	vadd.s32 v11, v13;
	[tilespmem:$0x440] =	vst v9  }
0x2e: {  	v17 =	vshll.u32 v60, $0xA;
	v16 =	vadd.s32 v57, v15;
	[tilespmem:$0x450] =	vst v14  }
0x2f: {  	v18 =	vadd.s32 v63, v17;
	[tilespmem:$0x460] =	vst v16  }
0x30: {  	[tilespmem:$0x470] =	vst v18  }
0x31: {  	[tilespmem:s14], [sflag:$0x2] =	stream.indirect.gather [hbm4b:s3+s12], $0x1, s13, s12, $0xb8;
	[tilespmem:$0x880] =	vst v63  }
0x32: {  	v19 =	vld [tilespmem:$0x80]  }
0x33: {  	v20 =	vld [tilespmem:$0x280]  }
0x34: {  	v21 =	vld [tilespmem:$0x90]  }
0x35: {  	v22 =	vld [tilespmem:$0x290]  }
0x36: {  	v23 =	vld [tilespmem:$0xA0]  }
0x37: {  	v24 =	vld [tilespmem:$0x2A0]  }
0x38: {  	v25 =	vld [tilespmem:$0xB0]  }
0x39: {  	v26 =	vld [tilespmem:$0x2B0]  }
0x3a: {  	v27 =	vld [tilespmem:$0xC0]  }
0x3b: {  	v28 =	vld [tilespmem:$0x2C0]  }
0x3c: {  	v29 =	vld [tilespmem:$0xD0]  }
0x3d: {  	v30 =	vld [tilespmem:$0x2D0]  }
0x3e: {  	v31 =	vld [tilespmem:$0xE0];
	v0 =	vshll.u32 v19, $0xA  }
0x3f: {  	v33 =	vld [tilespmem:$0x2E0];
	v32 =	vshll.u32 v21, $0xA;
	v0 =	vadd.s32 v20, v0  }
0x40: {  	v36 =	vld [tilespmem:$0xF0];
	v35 =	vshll.u32 v23, $0xA;
	v34 =	vadd.s32 v22, v32;
	[tilespmem:$0x480] =	vst v0  }
0x41: {  	v39 =	vld [tilespmem:$0x2F0];
	v38 =	vshll.u32 v25, $0xA;
	v37 =	vadd.s32 v24, v35;
	[tilespmem:$0x490] =	vst v34  }
0x42: {  	v41 =	vshll.u32 v27, $0xA;
	v40 =	vadd.s32 v26, v38;
	[tilespmem:$0x4A0] =	vst v37  }
0x43: {  	v43 =	vshll.u32 v29, $0xA;
	v42 =	vadd.s32 v28, v41;
	[tilespmem:$0x4B0] =	vst v40  }
0x44: {  	v45 =	vshll.u32 v31, $0xA;
	v44 =	vadd.s32 v30, v43;
	[tilespmem:$0x4C0] =	vst v42  }
0x45: {  	v47 =	vshll.u32 v36, $0xA;
	v46 =	vadd.s32 v33, v45;
	[tilespmem:$0x4D0] =	vst v44  }
0x46: {  	v48 =	vadd.s32 v39, v47;
	[tilespmem:$0x4E0] =	vst v46  }
0x47: {  	[tilespmem:$0x4F0] =	vst v48  }
0x48: {  	[tilespmem:s16], [sflag:$0x2] =	stream.indirect.gather [hbm4b:s3+s12], $0x1, s15, s12, $0xb8;
	[tilespmem:$0x880] =	vst v63  }
0x49: {  	v49 =	vld [tilespmem:$0x100]  }
0x4a: {  	v50 =	vld [tilespmem:$0x300]  }
0x4b: {  	v51 =	vld [tilespmem:$0x110]  }
0x4c: {  	v52 =	vld [tilespmem:$0x310]  }
0x4d: {  	v53 =	vld [tilespmem:$0x120]  }
0x4e: {  	v54 =	vld [tilespmem:$0x320]  }
0x4f: {  	v55 =	vld [tilespmem:$0x130]  }
0x50: {  	v56 =	vld [tilespmem:$0x330]  }
0x51: {  	v57 =	vld [tilespmem:$0x140]  }
0x52: {  	v58 =	vld [tilespmem:$0x340]  }
0x53: {  	v59 =	vld [tilespmem:$0x150]  }
0x54: {  	v60 =	vld [tilespmem:$0x350]  }
0x55: {  	v61 =	vld [tilespmem:$0x160];
	v0 =	vshll.u32 v49, $0xA  }
0x56: {  	v63 =	vld [tilespmem:$0x360];
	v62 =	vshll.u32 v51, $0xA;
	v0 =	vadd.s32 v50, v0  }
0x57: {  	v15 =	vld [tilespmem:$0x170];
	v14 =	vshll.u32 v53, $0xA;
	v13 =	vadd.s32 v52, v62;
	[tilespmem:$0x500] =	vst v0  }
0x58: {  	v18 =	vld [tilespmem:$0x370];
	v17 =	vshll.u32 v55, $0xA;
	v16 =	vadd.s32 v54, v14;
	[tilespmem:$0x510] =	vst v13  }
0x59: {  	v20 =	vshll.u32 v57, $0xA;
	v19 =	vadd.s32 v56, v17;
	[tilespmem:$0x520] =	vst v16  }
0x5a: {  	v22 =	vshll.u32 v59, $0xA;
	v21 =	vadd.s32 v58, v20;
	[tilespmem:$0x530] =	vst v19  }
0x5b: {  	v24 =	vshll.u32 v61, $0xA;
	v23 =	vadd.s32 v60, v22;
	[tilespmem:$0x540] =	vst v21  }
0x5c: {  	v26 =	vshll.u32 v15, $0xA;
	v25 =	vadd.s32 v63, v24;
	[tilespmem:$0x550] =	vst v23  }
0x5d: {  	v27 =	vadd.s32 v18, v26;
	[tilespmem:$0x560] =	vst v25  }
0x5e: {  	[tilespmem:$0x570] =	vst v27  }
0x5f: {  	[tilespmem:s18], [sflag:$0x2] =	stream.indirect.gather [hbm4b:s3+s12], $0x1, s17, s12, $0xb8;
	[tilespmem:$0x880] =	vst v63  }
0x60: {  	v28 =	vld [tilespmem:$0x180]  }
0x61: {  	v29 =	vld [tilespmem:$0x380]  }
0x62: {  	v30 =	vld [tilespmem:$0x190]  }
0x63: {  	v31 =	vld [tilespmem:$0x390]  }
0x64: {  	v32 =	vld [tilespmem:$0x1A0]  }
0x65: {  	v33 =	vld [tilespmem:$0x3A0]  }
0x66: {  	v34 =	vld [tilespmem:$0x1B0]  }
0x67: {  	v35 =	vld [tilespmem:$0x3B0]  }
0x68: {  	v36 =	vld [tilespmem:$0x1C0]  }
0x69: {  	v37 =	vld [tilespmem:$0x3C0]  }
0x6a: {  	v38 =	vld [tilespmem:$0x1D0]  }
0x6b: {  	v39 =	vld [tilespmem:$0x3D0]  }
0x6c: {  	v40 =	vld [tilespmem:$0x1E0];
	v0 =	vshll.u32 v28, $0xA  }
0x6d: {  	v42 =	vld [tilespmem:$0x3E0];
	v41 =	vshll.u32 v30, $0xA;
	v0 =	vadd.s32 v29, v0  }
0x6e: {  	v45 =	vld [tilespmem:$0x1F0];
	v44 =	vshll.u32 v32, $0xA;
	v43 =	vadd.s32 v31, v41;
	[tilespmem:$0x580] =	vst v0  }
0x6f: {  	v48 =	vld [tilespmem:$0x3F0];
	v47 =	vshll.u32 v34, $0xA;
	v46 =	vadd.s32 v33, v44;
	[tilespmem:$0x590] =	vst v43  }
0x70: {  	v50 =	vshll.u32 v36, $0xA;
	v49 =	vadd.s32 v35, v47;
	[tilespmem:$0x5A0] =	vst v46  }
0x71: {  	v52 =	vshll.u32 v38, $0xA;
	v51 =	vadd.s32 v37, v50;
	[tilespmem:$0x5B0] =	vst v49  }
0x72: {  	v54 =	vshll.u32 v40, $0xA;
	v53 =	vadd.s32 v39, v52;
	[tilespmem:$0x5C0] =	vst v51  }
0x73: {  	v56 =	vshll.u32 v45, $0xA;
	v55 =	vadd.s32 v42, v54;
	[tilespmem:$0x5D0] =	vst v53  }
0x74: {  	v57 =	vadd.s32 v48, v56;
	[tilespmem:$0x5E0] =	vst v55  }
0x75: {  	[tilespmem:$0x5F0] =	vst v57  }
0x76: {  	[tilespmem:s20], [sflag:$0x2] =	stream.indirect.gather [hbm4b:s3+s12], $0x1, s19, s12, $0xb8;
	[tilespmem:$0x880] =	vst v63  }
0x77: {  	_ =	swait.ge [sflag:s11], $0x10  }
0x78: {  	[sflag:s11] =	ssyncset.done $0x0  }
0x79: {  	[sflag:s11] =	ssyncadd.s32 $0xFFFFFFF0  }
0x7a: {  	_ =	swait.ge [sflag:s21], $0x80  }
0x7b: {  	[sflag:s21] =	ssyncset.done $0x0  }
0x7c: {  	[sflag:s21] =	ssyncadd.s32 $0xFFFFFF80  }
0x7d: {  	_ =	swait.ge [sflag:s21], $0x80  }
0x7e: {  	[sflag:s21] =	ssyncset.done $0x0  }
0x7f: {  	[sflag:s21] =	ssyncadd.s32 $0xFFFFFF80  }
0x80: {  	_ =	swait.ge [sflag:s21], $0x80  }
0x81: {  	[sflag:s21] =	ssyncset.done $0x0  }
0x82: {  	[sflag:s21] =	ssyncadd.s32 $0xFFFFFF80  }
0x83: {  	_ =	swait.ge [sflag:s21], $0x80  }
0x84: {  	[sflag:s21] =	ssyncset.done $0x0  }
0x85: {  	[sflag:s21] =	ssyncadd.s32 $0xFFFFFF80  }
0x86: {  	v0 =	vld [tilespmem:$0x800]  }
0x87: {  	v58 =	vld [tilespmem:$0x600]  }
0x88: {  	v59 =	vld [tilespmem:$0x610]  }
0x89: {  	v60 =	vld [tilespmem:$0x620]  }
0x8a: {  	v61 =	vld [tilespmem:$0x630]  }
0x8b: {  	v62 =	vld [tilespmem:$0x640]  }
0x8c: {  	v63 =	vld [tilespmem:$0x650];
	v1 =	vsub.f32 v58, v0  }
0x8d: {  	v9 =	vld [tilespmem:$0x660];
	v2 =	vsub.f32 v59, v0  }
0x8e: {  	v11 =	vld [tilespmem:$0x670];
	v10 =	vsub.f32 v60, v0;
	[tilespmem:$0x600] =	vst v1  }
0x8f: {  	v13 =	vld [tilespmem:$0x680];
	v12 =	vsub.f32 v61, v0;
	[tilespmem:$0x610] =	vst v2  }
0x90: {  	v15 =	vld [tilespmem:$0x690];
	v14 =	vsub.f32 v62, v0;
	[tilespmem:$0x620] =	vst v10  }
0x91: {  	v17 =	vld [tilespmem:$0x6A0];
	v16 =	vsub.f32 v63, v0;
	[tilespmem:$0x630] =	vst v12  }
0x92: {  	v19 =	vld [tilespmem:$0x6B0];
	v18 =	vsub.f32 v9, v0;
	[tilespmem:$0x640] =	vst v14  }
0x93: {  	v21 =	vld [tilespmem:$0x6C0];
	v20 =	vsub.f32 v11, v0;
	[tilespmem:$0x650] =	vst v16  }
0x94: {  	v23 =	vld [tilespmem:$0x6D0];
	v22 =	vsub.f32 v13, v0;
	[tilespmem:$0x660] =	vst v18  }
0x95: {  	v25 =	vld [tilespmem:$0x6E0];
	v24 =	vsub.f32 v15, v0;
	[tilespmem:$0x670] =	vst v20  }
0x96: {  	v27 =	vld [tilespmem:$0x6F0];
	v26 =	vsub.f32 v17, v0;
	[tilespmem:$0x680] =	vst v22  }
0x97: {  	v29 =	vld [tilespmem:$0x700];
	v28 =	vsub.f32 v19, v0;
	[tilespmem:$0x690] =	vst v24  }
0x98: {  	v31 =	vld [tilespmem:$0x710];
	v30 =	vsub.f32 v21, v0;
	[tilespmem:$0x6A0] =	vst v26  }
0x99: {  	v33 =	vld [tilespmem:$0x720];
	v32 =	vsub.f32 v23, v0;
	[tilespmem:$0x6B0] =	vst v28  }
0x9a: {  	v35 =	vld [tilespmem:$0x730];
	v34 =	vsub.f32 v25, v0;
	[tilespmem:$0x6C0] =	vst v30  }
0x9b: {  	v37 =	vld [tilespmem:$0x740];
	v36 =	vsub.f32 v27, v0;
	[tilespmem:$0x6D0] =	vst v32  }
0x9c: {  	v39 =	vld [tilespmem:$0x750];
	v38 =	vsub.f32 v29, v0;
	[tilespmem:$0x6E0] =	vst v34  }
0x9d: {  	v41 =	vld [tilespmem:$0x760];
	v40 =	vsub.f32 v31, v0;
	[tilespmem:$0x6F0] =	vst v36  }
0x9e: {  	v43 =	vld [tilespmem:$0x770];
	v42 =	vsub.f32 v33, v0;
	[tilespmem:$0x700] =	vst v38  }
0x9f: {  	v45 =	vld [tilespmem:$0x780];
	v44 =	vsub.f32 v35, v0;
	[tilespmem:$0x710] =	vst v40  }
0xa0: {  	v47 =	vld [tilespmem:$0x790];
	v46 =	vsub.f32 v37, v0;
	[tilespmem:$0x720] =	vst v42  }
0xa1: {  	v49 =	vld [tilespmem:$0x7A0];
	v48 =	vsub.f32 v39, v0;
	[tilespmem:$0x730] =	vst v44  }
0xa2: {  	v51 =	vld [tilespmem:$0x7B0];
	v50 =	vsub.f32 v41, v0;
	[tilespmem:$0x740] =	vst v46  }
0xa3: {  	v53 =	vld [tilespmem:$0x7C0];
	v52 =	vsub.f32 v43, v0;
	[tilespmem:$0x750] =	vst v48  }
0xa4: {  	v55 =	vld [tilespmem:$0x7D0];
	v54 =	vsub.f32 v45, v0;
	[tilespmem:$0x760] =	vst v50  }
0xa5: {  	v57 =	vld [tilespmem:$0x7E0];
	v56 =	vsub.f32 v47, v0;
	[tilespmem:$0x770] =	vst v52  }
0xa6: {  	v58 =	vsub.f32 v49, v0;
	v59 =	vld [tilespmem:$0x7F0];
	[tilespmem:$0x780] =	vst v54  }
0xa7: {  	v60 =	vsub.f32 v51, v0;
	[tilespmem:$0x790] =	vst v56  }
0xa8: {  	v61 =	vsub.f32 v53, v0;
	[tilespmem:$0x7A0] =	vst v58  }
0xa9: {  	v62 =	vsub.f32 v55, v0;
	[tilespmem:$0x7B0] =	vst v60  }
0xaa: {  	v63 =	vsub.f32 v57, v0;
	[tilespmem:$0x7C0] =	vst v61  }
0xab: {  	[tilespmem:$0x7D0] =	vst v62;
	v0 =	vsub.f32 v59, v0  }
0xac: {  	p0 =	sne.s32 s8, $0x1;
	[tilespmem:$0x7E0] =	vst v63  }
.Ltmp0:
0xad: {  	[tilespmem:$0x7F0] =	vst v0;
	(pc) =	sbr.rel @p0 .LBB2_1-.Ltmp0, $4  }
0xae: {  	[hbm4b:s7+s1] =	stream.linear.scatter [tilespmem:s14], [sflag:$0x3], $0x200, $0x38;
	[tilespmem:$0x880] =	vst v63  }
0xaf: {  	_ =	swait.ge [sflag:s22], $0x200  }
0xb0: {  	[sflag:s22] =	ssyncset.done $0x0  }
0xb1: {  	s8 =	sadd.s32 $0xFFFFFFFF, s8;
	[sflag:s22] =	ssyncadd.s32 $0xFFFFFE00  }
0xb2: {  	_ =	sfence.sel $0x180000  }
0xb3: {  	[bflag:$0x0] =	sbarrier.arrive $0xFFFF  }
0xb4: {  	p0 =	sne.s32 s2, $0x0;
	_ =	strace $0x90000047  }
0xb5: {  	s0 =	sadd.s32 @!p0 $0x100000, s0;
	[bflag:$0x2] =	sbarrier.arrive $0xFFFF  }
0xb6: {  	[sflag:s0] =	ssyncadd.tile.s32 @!p0 $0x1;
	_ =	shalt  }
.Lfunc_end2:
_tile_overlayer_lowered:
.L_overlay_start_2:
0xb7: {  	(tag) =	ssettag $0x2  }
0xb8: {  	s0 =	rddreg [dreg:$0x0];
	s2 =	stileid.u32  }
0xb9: {  	s1 =	rddreg [dreg:$0x1];
	p0 =	sne.s32 s2, $0x0  }
0xba: {  	s3 =	rddreg [dreg:$0x2];
	[bflag:$0x3] =	sbarrier.arrive $0xFFFF;
	s2 =	simm.s32 @!p0 $0x1C03  }
0xbb: {  	[timem:s3], [sflag:s2] =	dma.local @!p0 [hbm:s0], s1  }
0xbc: {  	s0 =	simm.s32 @!p0 $0x3  }
0xbd: {  	_ =	swait.ge @!p0 [sflag:s0], s1  }
0xbe: {  	s1 =	ssub.s32 @!p0 $0x0, s1;
	[sflag:s0] =	ssyncset.done @!p0 $0x0  }
0xbf: {  	[sflag:s0] =	ssyncadd.s32 @!p0 s1  }
0xc0: {  	[bflag:$0x3] =	sbarrier.arrive $0xFFFF  }
0xc1: {  	_ =	shalt  }

</sc_bundles>
